<compile_context>
chip_gen: v7x
topology: tpu7x:2x2x1
jax: 0.10.2.dev20260603
libtpu: 0.0.44.dev20260713+nightly
codegen_flags: <defaults>
</compile_context>

<pallas_src>
import functools

import jax
import jax.numpy as jnp
from jax import lax
from jax.experimental import pallas as pl
from jax.experimental.pallas import tpu as pltpu
from jax.experimental.pallas import tpu_sc as plsc

N = 10000
K = 128
E = 320000

NC = 2
NS = 16
CHUNK = 32
EPT = E // NS
NCHUNK = 625
EPT_PAD = NCHUNK * CHUNK
ACC_N = 10240
JUNK = N
ZROWS = ACC_N // NS
OROWS = 624


def _prep_edges(edge_index):
  src = edge_index[0].astype(jnp.int32)
  dst = edge_index[1].astype(jnp.int32)
  pad = NS * EPT_PAD - E
  src = jnp.concatenate([src, jnp.zeros((pad,), jnp.int32)])
  dst = jnp.concatenate([dst, jnp.full((pad,), JUNK, jnp.int32)])
  return (src.reshape(NS, NCHUNK, CHUNK), dst.reshape(NS, NCHUNK, CHUNK))


def _sc_body(x_hbm, srcp, dstp, srcn, dstn, xp_out, xn_out,
             src_v, dst_v, r0, sg0, ss0, acc):
  cid = lax.axis_index("c")
  sid = lax.axis_index("s")

  def _zrow(i, carry):
    for c in range(K // 16):
      r0[i, pl.ds(c * 16, 16)] = jnp.zeros((16,), jnp.float32)
    return carry
  lax.fori_loop(0, CHUNK, _zrow, 0)

  @pl.when(cid == 0)
  def _():
    pltpu.sync_copy(srcp.at[sid], src_v)
    pltpu.sync_copy(dstp.at[sid], dst_v)

  @pl.when(cid == 1)
  def _():
    pltpu.sync_copy(srcn.at[sid], src_v)
    pltpu.sync_copy(dstn.at[sid], dst_v)

  for b in range(ZROWS // CHUNK):
    pltpu.sync_copy(r0, acc.at[pl.ds(sid * ZROWS + b * CHUNK, CHUNK)])
  plsc.subcore_barrier()

  def _chunk(j, carry):
    pltpu.async_copy(x_hbm.at[src_v.at[j]], r0, sg0).wait()
    pltpu.async_copy(r0, acc.at[dst_v.at[j]], ss0, add=True).wait()
    return carry
  lax.fori_loop(0, NCHUNK, _chunk, 0)
  plsc.subcore_barrier()

  base = sid * OROWS
  rem_base = NS * OROWS
  rem = N - NS * OROWS

  @pl.when(cid == 0)
  def _():
    pltpu.sync_copy(acc.at[pl.ds(base, OROWS)],
                    xp_out.at[pl.ds(base, OROWS)])
    @pl.when(sid == NS - 1)
    def _():
      pltpu.sync_copy(acc.at[pl.ds(rem_base, rem)],
                      xp_out.at[pl.ds(rem_base, rem)])

  @pl.when(cid == 1)
  def _():
    pltpu.sync_copy(acc.at[pl.ds(base, OROWS)],
                    xn_out.at[pl.ds(base, OROWS)])
    @pl.when(sid == NS - 1)
    def _():
      pltpu.sync_copy(acc.at[pl.ds(rem_base, rem)],
                      xn_out.at[pl.ds(rem_base, rem)])


def _sc_scatter(x, srcp, dstp, srcn, dstn):
  mesh = plsc.VectorSubcoreMesh(core_axis_name="c", subcore_axis_name="s")
  full = jax.ShapeDtypeStruct((N, K), jnp.float32)
  return pl.kernel(
      _sc_body,
      out_type=(full, full),
      mesh=mesh,
      compiler_params=pltpu.CompilerParams(use_tc_tiling_on_sc=False),
      scratch_types=(
          [pltpu.VMEM((NCHUNK, CHUNK), jnp.int32)] * 2
          + [pltpu.VMEM((CHUNK, K), jnp.float32)]
          + [pltpu.SemaphoreType.DMA] * 2
          + [pltpu.VMEM_SHARED((ACC_N, K), jnp.float32)]
      ),
  )(x, srcp, dstp, srcn, dstn)


ROWS_BLK = 2000


def _mlp_body(x_ref, xp_ref, xn_ref, w1_ref, b1_ref, w2_ref, b2_ref, out_ref):
  cat = jnp.concatenate([x_ref[...], xp_ref[...], xn_ref[...]], axis=1)
  h = jnp.tanh(
      jnp.dot(cat, w1_ref[...], preferred_element_type=jnp.float32)
      + b1_ref[...])
  c = (jnp.dot(h, w2_ref[...], preferred_element_type=jnp.float32)
       + b2_ref[...])
  m = jnp.max(c, axis=1, keepdims=True)
  e = jnp.exp(c - m)
  out_ref[...] = e / jnp.sum(e, axis=1, keepdims=True)


def _tc_mlp(x, xp, xn, W1, b1, W2, b2):
  grid = N // ROWS_BLK
  row_spec = pl.BlockSpec((ROWS_BLK, K), lambda i: (i, 0))
  full = lambda s: pl.BlockSpec(s, lambda i: (0,) * len(s))
  return pl.pallas_call(
      _mlp_body,
      grid=(grid,),
      in_specs=[
          row_spec, row_spec, row_spec,
          full((3 * K, 16)), full((1, 16)), full((16, K)), full((1, K)),
      ],
      out_specs=row_spec,
      out_shape=jax.ShapeDtypeStruct((N, K), jnp.float32),
  )(x, xp, xn, W1, b1, W2, b2)


@jax.jit
def kernel(x, pos_edge_index, neg_edge_index, W1, b1, W2, b2):
  srcp, dstp = _prep_edges(pos_edge_index)
  srcn, dstn = _prep_edges(neg_edge_index)
  xp, xn = _sc_scatter(x, srcp, dstp, srcn, dstn)
  return _tc_mlp(x, xp, xn, W1,
                 b1.reshape(1, 16), W2, b2.reshape(1, K))

# --- scband reference (transcript-rebuilt; emitter-appended) ---
"""Pipeline reference for scband-global-layer-44942537785492 (READ-ONLY COPY).

The authoritative reference and input builder live on the scoring server;
editing this copy changes nothing except your own understanding.
"""

import jax, jax.numpy as jnp
import numpy as np

N = 10000
K = 128
E = 320000

def setup_inputs(seed: int = 0) -> dict:
    key = jax.random.key(seed)
    k1, k2, k3, k4, k5, k6, k7 = jax.random.split(key, 7)
    x = jax.random.normal(k1, (N, K), dtype=jnp.float32)
    pos_edge_index = jax.random.randint(k2, (2, E), 0, N, dtype=jnp.int64)
    neg_edge_index = jax.random.randint(k3, (2, E), 0, N, dtype=jnp.int64)
    # Linear(3k, 16) and Linear(16, k) parameters (Kaiming-uniform-like init)
    lim1 = 1.0 / np.sqrt(3 * K)
    W1 = jax.random.uniform(k4, (3 * K, 16), dtype=jnp.float32, minval=-lim1, maxval=lim1)
    b1 = jax.random.uniform(k5, (16,), dtype=jnp.float32, minval=-lim1, maxval=lim1)
    lim2 = 1.0 / np.sqrt(16)
    W2 = jax.random.uniform(k6, (16, K), dtype=jnp.float32, minval=-lim2, maxval=lim2)
    b2 = jax.random.uniform(k7, (K,), dtype=jnp.float32, minval=-lim2, maxval=lim2)
    return {"x": x, "pos_edge_index": pos_edge_index, "neg_edge_index": neg_edge_index,
            "W1": W1, "b1": b1, "W2": W2, "b2": b2}

def reference(x, pos_edge_index, neg_edge_index, W1, b1, W2, b2):
    # _MP with aggr='add': message is x_j = x[src]; aggregate by scatter-add at dst
    def mp(edge_index):
        src = edge_index[0]
        dst = edge_index[1]
        return jnp.zeros_like(x).at[dst].add(x[src])
    x_pos = mp(pos_edge_index)
    x_neg = mp(neg_edge_index)
    out_cat = jnp.concatenate((x, x_pos, x_neg), axis=1)
    h = jnp.tanh(out_cat @ W1 + b1)
    C = h @ W2 + b2
    return jax.nn.softmax(C, axis=1)

if __name__ == "__main__":
    import jax
    _d = setup_inputs()
    print(jax.jit(kernel)(*tuple(_d.values())))

</pallas_src>

<mosaic_0001>
#map = affine_map<(d0, d1) -> (0, 0)>
#map1 = affine_map<(d0, d1) -> (0, 0, 0)>
module attributes {stable_mosaic.version = 14 : i64} {
  func.func @_sc_body(%arg0: i32, %arg1: i32, %arg2: memref<10000x128xf32, #tpu.memory_space<hbm>>, %arg3: memref<16x625x32xi32, #tpu.memory_space<hbm>>, %arg4: memref<16x625x32xi32, #tpu.memory_space<hbm>>, %arg5: memref<16x625x32xi32, #tpu.memory_space<hbm>>, %arg6: memref<16x625x32xi32, #tpu.memory_space<hbm>>, %arg7: memref<10000x128xf32, #tpu.memory_space<hbm>>, %arg8: memref<10000x128xf32, #tpu.memory_space<hbm>>, %arg9: memref<625x32xi32, #tpu.memory_space<vmem>>, %arg10: memref<625x32xi32, #tpu.memory_space<vmem>>, %arg11: memref<32x128xf32, #tpu.memory_space<vmem>>, %arg12: memref<!tpu.dma_semaphore, #tpu.memory_space<semaphore_mem>>, %arg13: memref<!tpu.dma_semaphore, #tpu.memory_space<semaphore_mem>>, %arg14: memref<10240x128xf32, #tpu.memory_space<vmem_shared>>) attributes {dimension_semantics = [#tpu.dimension_semantics<core_parallel>, #tpu.dimension_semantics<subcore_parallel>], iteration_bounds = array<i64: 2, 16>, scalar_prefetch = 0 : i64, scratch_operands = 6 : i64, tpu.core_type = #tpu.core_type<sc_vector_subcore>, window_params = [{transform_indices = #map}, {transform_indices = #map1}, {transform_indices = #map1}, {transform_indices = #map1}, {transform_indices = #map1}, {transform_indices = #map}, {transform_indices = #map}]} {
    %scan3A = arith.constant 0 : i32
    %scan3A_0 = arith.constant 0 : i32
    %scan3A_1 = arith.constant 32 : i32
    %scan3A_2 = arith.addi %scan3A_0, %scan3A_1 : i32
    %scan3A_3 = arith.constant 1 : i32
    scf.for %scan3A_109 = %scan3A_0 to %scan3A_2 step %scan3A_3  : i32 {
      %broadcast_in_dim3A = arith.constant 0.000000e+00 : f32
      %broadcast_in_dim3A_110 = vector.broadcast %broadcast_in_dim3A : f32 to vector<16xf32>
      %swap3A = arith.index_cast %scan3A_109 : i32 to index
      %swap3A_111 = arith.constant 0 : index
      %swap3A_112 = tpu.vector_load %arg11[%swap3A, %swap3A_111] {strides = array<i32>} : memref<32x128xf32, #tpu.memory_space<vmem>>, vector<1x16xf32>,
      %swap3A_113 = vector.shape_cast %swap3A_112 : vector<1x16xf32> to vector<16xf32>
      %swap3A_114 = vector.shape_cast %broadcast_in_dim3A_110 : vector<16xf32> to vector<1x16xf32>
      tpu.vector_store %arg11[%swap3A, %swap3A_111], %swap3A_114 {strides = array<i32>} : memref<32x128xf32, #tpu.memory_space<vmem>>, vector<1x16xf32>,
      %broadcast_in_dim3A_115 = arith.constant 0.000000e+00 : f32
      %broadcast_in_dim3A_116 = vector.broadcast %broadcast_in_dim3A_115 : f32 to vector<16xf32>
      %swap3A_117 = arith.index_cast %scan3A_109 : i32 to index
      %swap3A_118 = arith.constant 16 : index
      %swap3A_119 = tpu.vector_load %arg11[%swap3A_117, %swap3A_118] {strides = array<i32>} : memref<32x128xf32, #tpu.memory_space<vmem>>, vector<1x16xf32>,
      %swap3A_120 = vector.shape_cast %swap3A_119 : vector<1x16xf32> to vector<16xf32>
      %swap3A_121 = vector.shape_cast %broadcast_in_dim3A_116 : vector<16xf32> to vector<1x16xf32>
      tpu.vector_store %arg11[%swap3A_117, %swap3A_118], %swap3A_121 {strides = array<i32>} : memref<32x128xf32, #tpu.memory_space<vmem>>, vector<1x16xf32>,
      %broadcast_in_dim3A_122 = arith.constant 0.000000e+00 : f32
      %broadcast_in_dim3A_123 = vector.broadcast %broadcast_in_dim3A_122 : f32 to vector<16xf32>
      %swap3A_124 = arith.index_cast %scan3A_109 : i32 to index
      %swap3A_125 = arith.constant 32 : index
      %swap3A_126 = tpu.vector_load %arg11[%swap3A_124, %swap3A_125] {strides = array<i32>} : memref<32x128xf32, #tpu.memory_space<vmem>>, vector<1x16xf32>,
      %swap3A_127 = vector.shape_cast %swap3A_126 : vector<1x16xf32> to vector<16xf32>
      %swap3A_128 = vector.shape_cast %broadcast_in_dim3A_123 : vector<16xf32> to vector<1x16xf32>
      tpu.vector_store %arg11[%swap3A_124, %swap3A_125], %swap3A_128 {strides = array<i32>} : memref<32x128xf32, #tpu.memory_space<vmem>>, vector<1x16xf32>,
      %broadcast_in_dim3A_129 = arith.constant 0.000000e+00 : f32
      %broadcast_in_dim3A_130 = vector.broadcast %broadcast_in_dim3A_129 : f32 to vector<16xf32>
      %swap3A_131 = arith.index_cast %scan3A_109 : i32 to index
      %swap3A_132 = arith.constant 48 : index
      %swap3A_133 = tpu.vector_load %arg11[%swap3A_131, %swap3A_132] {strides = array<i32>} : memref<32x128xf32, #tpu.memory_space<vmem>>, vector<1x16xf32>,
      %swap3A_134 = vector.shape_cast %swap3A_133 : vector<1x16xf32> to vector<16xf32>
      %swap3A_135 = vector.shape_cast %broadcast_in_dim3A_130 : vector<16xf32> to vector<1x16xf32>
      tpu.vector_store %arg11[%swap3A_131, %swap3A_132], %swap3A_135 {strides = array<i32>} : memref<32x128xf32, #tpu.memory_space<vmem>>, vector<1x16xf32>,
      %broadcast_in_dim3A_136 = arith.constant 0.000000e+00 : f32
      %broadcast_in_dim3A_137 = vector.broadcast %broadcast_in_dim3A_136 : f32 to vector<16xf32>
      %swap3A_138 = arith.index_cast %scan3A_109 : i32 to index
      %swap3A_139 = arith.constant 64 : index
      %swap3A_140 = tpu.vector_load %arg11[%swap3A_138, %swap3A_139] {strides = array<i32>} : memref<32x128xf32, #tpu.memory_space<vmem>>, vector<1x16xf32>,
      %swap3A_141 = vector.shape_cast %swap3A_140 : vector<1x16xf32> to vector<16xf32>
      %swap3A_142 = vector.shape_cast %broadcast_in_dim3A_137 : vector<16xf32> to vector<1x16xf32>
      tpu.vector_store %arg11[%swap3A_138, %swap3A_139], %swap3A_142 {strides = array<i32>} : memref<32x128xf32, #tpu.memory_space<vmem>>, vector<1x16xf32>,
      %broadcast_in_dim3A_143 = arith.constant 0.000000e+00 : f32
      %broadcast_in_dim3A_144 = vector.broadcast %broadcast_in_dim3A_143 : f32 to vector<16xf32>
      %swap3A_145 = arith.index_cast %scan3A_109 : i32 to index
      %swap3A_146 = arith.constant 80 : index
      %swap3A_147 = tpu.vector_load %arg11[%swap3A_145, %swap3A_146] {strides = array<i32>} : memref<32x128xf32, #tpu.memory_space<vmem>>, vector<1x16xf32>,
      %swap3A_148 = vector.shape_cast %swap3A_147 : vector<1x16xf32> to vector<16xf32>
      %swap3A_149 = vector.shape_cast %broadcast_in_dim3A_144 : vector<16xf32> to vector<1x16xf32>
      tpu.vector_store %arg11[%swap3A_145, %swap3A_146], %swap3A_149 {strides = array<i32>} : memref<32x128xf32, #tpu.memory_space<vmem>>, vector<1x16xf32>,
      %broadcast_in_dim3A_150 = arith.constant 0.000000e+00 : f32
      %broadcast_in_dim3A_151 = vector.broadcast %broadcast_in_dim3A_150 : f32 to vector<16xf32>
      %swap3A_152 = arith.index_cast %scan3A_109 : i32 to index
      %swap3A_153 = arith.constant 96 : index
      %swap3A_154 = tpu.vector_load %arg11[%swap3A_152, %swap3A_153] {strides = array<i32>} : memref<32x128xf32, #tpu.memory_space<vmem>>, vector<1x16xf32>,
      %swap3A_155 = vector.shape_cast %swap3A_154 : vector<1x16xf32> to vector<16xf32>
      %swap3A_156 = vector.shape_cast %broadcast_in_dim3A_151 : vector<16xf32> to vector<1x16xf32>
      tpu.vector_store %arg11[%swap3A_152, %swap3A_153], %swap3A_156 {strides = array<i32>} : memref<32x128xf32, #tpu.memory_space<vmem>>, vector<1x16xf32>,
      %broadcast_in_dim3A_157 = arith.constant 0.000000e+00 : f32
      %broadcast_in_dim3A_158 = vector.broadcast %broadcast_in_dim3A_157 : f32 to vector<16xf32>
      %swap3A_159 = arith.index_cast %scan3A_109 : i32 to index
      %swap3A_160 = arith.constant 112 : index
      %swap3A_161 = tpu.vector_load %arg11[%swap3A_159, %swap3A_160] {strides = array<i32>} : memref<32x128xf32, #tpu.memory_space<vmem>>, vector<1x16xf32>,
      %swap3A_162 = vector.shape_cast %swap3A_161 : vector<1x16xf32> to vector<16xf32>
      %swap3A_163 = vector.shape_cast %broadcast_in_dim3A_158 : vector<16xf32> to vector<1x16xf32>
      tpu.vector_store %arg11[%swap3A_159, %swap3A_160], %swap3A_163 {strides = array<i32>} : memref<32x128xf32, #tpu.memory_space<vmem>>, vector<1x16xf32>,
    }
    %scan3A_4 = arith.constant 32 : i32
    %eq3A = arith.constant 0 : i32
    %eq3A_5 = arith.cmpi eq, %arg0, %eq3A : i32
    %convert_element_type3A = arith.extui %eq3A_5 : i1 to i32
    %cond3A = arith.constant 0 : i32
    %cond3A_6 = arith.cmpi ne, %convert_element_type3A, %cond3A : i32
    scf.if %cond3A_6 {
      "tpu.region"() ({
        %run_scoped3A = tpu.sem_alloc : memref<!tpu.dma_semaphore, #tpu.memory_space<semaphore_mem>>
        %dma_start3A = arith.constant 0 : i32
        %dma_start3A_109 = arith.constant 0 : i32
        %dma_start3A_110 = tpu.memref_slice %arg3[%arg1, %dma_start3A, %dma_start3A_109] : memref<16x625x32xi32, #tpu.memory_space<hbm>> -> memref<1x625x32xi32, #tpu.memory_space<hbm>>
        %dma_start3A_111 = tpu.memref_squeeze %dma_start3A_110 : memref<1x625x32xi32, #tpu.memory_space<hbm>> -> memref<625x32xi32, #tpu.memory_space<hbm>>
        %dma_start3A_112 = arith.constant 0 : i32
        %dma_start3A_113 = arith.constant 0 : i32
        %dma_start3A_114 = tpu.memref_slice %arg3[%arg1, %dma_start3A_112, %dma_start3A_113] : memref<16x625x32xi32, #tpu.memory_space<hbm>> -> memref<1x625x32xi32, #tpu.memory_space<hbm>>
        %dma_start3A_115 = tpu.memref_squeeze %dma_start3A_114 : memref<1x625x32xi32, #tpu.memory_space<hbm>> -> memref<625x32xi32, #tpu.memory_space<hbm>>
        tpu.enqueue_dma source(%dma_start3A_115 : memref<625x32xi32, #tpu.memory_space<hbm>>) target(%arg9 : memref<625x32xi32, #tpu.memory_space<vmem>>) target_semaphore(%run_scoped3A : memref<!tpu.dma_semaphore, #tpu.memory_space<semaphore_mem>>)
        %dma_wait3A = arith.constant 0 : i32
        %dma_wait3A_116 = arith.constant 0 : i32
        %dma_wait3A_117 = tpu.memref_slice %arg3[%arg1, %dma_wait3A, %dma_wait3A_116] : memref<16x625x32xi32, #tpu.memory_space<hbm>> -> memref<1x625x32xi32, #tpu.memory_space<hbm>>
        %dma_wait3A_118 = tpu.memref_squeeze %dma_wait3A_117 : memref<1x625x32xi32, #tpu.memory_space<hbm>> -> memref<625x32xi32, #tpu.memory_space<hbm>>
        %dma_wait3A_119 = arith.constant 0 : i32
        %dma_wait3A_120 = arith.constant 0 : i32
        %dma_wait3A_121 = tpu.memref_slice %arg3[%arg1, %dma_wait3A_119, %dma_wait3A_120] : memref<16x625x32xi32, #tpu.memory_space<hbm>> -> memref<1x625x32xi32, #tpu.memory_space<hbm>>
        %dma_wait3A_122 = tpu.memref_squeeze %dma_wait3A_121 : memref<1x625x32xi32, #tpu.memory_space<hbm>> -> memref<625x32xi32, #tpu.memory_space<hbm>>
        tpu.wait_dma2 semaphore(%run_scoped3A : memref<!tpu.dma_semaphore, #tpu.memory_space<semaphore_mem>>) src(%dma_wait3A_122 : memref<625x32xi32, #tpu.memory_space<hbm>>) dst(%arg9 : memref<625x32xi32, #tpu.memory_space<vmem>>)
        tpu.yield
      }) : () -> ()
      "tpu.region"() ({
        %run_scoped3A = tpu.sem_alloc : memref<!tpu.dma_semaphore, #tpu.memory_space<semaphore_mem>>
        %dma_start3A = arith.constant 0 : i32
        %dma_start3A_109 = arith.constant 0 : i32
        %dma_start3A_110 = tpu.memref_slice %arg4[%arg1, %dma_start3A, %dma_start3A_109] : memref<16x625x32xi32, #tpu.memory_space<hbm>> -> memref<1x625x32xi32, #tpu.memory_space<hbm>>
        %dma_start3A_111 = tpu.memref_squeeze %dma_start3A_110 : memref<1x625x32xi32, #tpu.memory_space<hbm>> -> memref<625x32xi32, #tpu.memory_space<hbm>>
        %dma_start3A_112 = arith.constant 0 : i32
        %dma_start3A_113 = arith.constant 0 : i32
        %dma_start3A_114 = tpu.memref_slice %arg4[%arg1, %dma_start3A_112, %dma_start3A_113] : memref<16x625x32xi32, #tpu.memory_space<hbm>> -> memref<1x625x32xi32, #tpu.memory_space<hbm>>
        %dma_start3A_115 = tpu.memref_squeeze %dma_start3A_114 : memref<1x625x32xi32, #tpu.memory_space<hbm>> -> memref<625x32xi32, #tpu.memory_space<hbm>>
        tpu.enqueue_dma source(%dma_start3A_115 : memref<625x32xi32, #tpu.memory_space<hbm>>) target(%arg10 : memref<625x32xi32, #tpu.memory_space<vmem>>) target_semaphore(%run_scoped3A : memref<!tpu.dma_semaphore, #tpu.memory_space<semaphore_mem>>)
        %dma_wait3A = arith.constant 0 : i32
        %dma_wait3A_116 = arith.constant 0 : i32
        %dma_wait3A_117 = tpu.memref_slice %arg4[%arg1, %dma_wait3A, %dma_wait3A_116] : memref<16x625x32xi32, #tpu.memory_space<hbm>> -> memref<1x625x32xi32, #tpu.memory_space<hbm>>
        %dma_wait3A_118 = tpu.memref_squeeze %dma_wait3A_117 : memref<1x625x32xi32, #tpu.memory_space<hbm>> -> memref<625x32xi32, #tpu.memory_space<hbm>>
        %dma_wait3A_119 = arith.constant 0 : i32
        %dma_wait3A_120 = arith.constant 0 : i32
        %dma_wait3A_121 = tpu.memref_slice %arg4[%arg1, %dma_wait3A_119, %dma_wait3A_120] : memref<16x625x32xi32, #tpu.memory_space<hbm>> -> memref<1x625x32xi32, #tpu.memory_space<hbm>>
        %dma_wait3A_122 = tpu.memref_squeeze %dma_wait3A_121 : memref<1x625x32xi32, #tpu.memory_space<hbm>> -> memref<625x32xi32, #tpu.memory_space<hbm>>
        tpu.wait_dma2 semaphore(%run_scoped3A : memref<!tpu.dma_semaphore, #tpu.memory_space<semaphore_mem>>) src(%dma_wait3A_122 : memref<625x32xi32, #tpu.memory_space<hbm>>) dst(%arg10 : memref<625x32xi32, #tpu.memory_space<vmem>>)
        tpu.yield
      }) : () -> ()
    } else {
    }
    %eq3A_7 = arith.constant 1 : i32
    %eq3A_8 = arith.cmpi eq, %arg0, %eq3A_7 : i32
    %convert_element_type3A_9 = arith.extui %eq3A_8 : i1 to i32
    %cond3A_10 = arith.constant 0 : i32
    %cond3A_11 = arith.cmpi ne, %convert_element_type3A_9, %cond3A_10 : i32
    scf.if %cond3A_11 {
      "tpu.region"() ({
        %run_scoped3A = tpu.sem_alloc : memref<!tpu.dma_semaphore, #tpu.memory_space<semaphore_mem>>
        %dma_start3A = arith.constant 0 : i32
        %dma_start3A_109 = arith.constant 0 : i32
        %dma_start3A_110 = tpu.memref_slice %arg5[%arg1, %dma_start3A, %dma_start3A_109] : memref<16x625x32xi32, #tpu.memory_space<hbm>> -> memref<1x625x32xi32, #tpu.memory_space<hbm>>
        %dma_start3A_111 = tpu.memref_squeeze %dma_start3A_110 : memref<1x625x32xi32, #tpu.memory_space<hbm>> -> memref<625x32xi32, #tpu.memory_space<hbm>>
        %dma_start3A_112 = arith.constant 0 : i32
        %dma_start3A_113 = arith.constant 0 : i32
        %dma_start3A_114 = tpu.memref_slice %arg5[%arg1, %dma_start3A_112, %dma_start3A_113] : memref<16x625x32xi32, #tpu.memory_space<hbm>> -> memref<1x625x32xi32, #tpu.memory_space<hbm>>
        %dma_start3A_115 = tpu.memref_squeeze %dma_start3A_114 : memref<1x625x32xi32, #tpu.memory_space<hbm>> -> memref<625x32xi32, #tpu.memory_space<hbm>>
        tpu.enqueue_dma source(%dma_start3A_115 : memref<625x32xi32, #tpu.memory_space<hbm>>) target(%arg9 : memref<625x32xi32, #tpu.memory_space<vmem>>) target_semaphore(%run_scoped3A : memref<!tpu.dma_semaphore, #tpu.memory_space<semaphore_mem>>)
        %dma_wait3A = arith.constant 0 : i32
        %dma_wait3A_116 = arith.constant 0 : i32
        %dma_wait3A_117 = tpu.memref_slice %arg5[%arg1, %dma_wait3A, %dma_wait3A_116] : memref<16x625x32xi32, #tpu.memory_space<hbm>> -> memref<1x625x32xi32, #tpu.memory_space<hbm>>
        %dma_wait3A_118 = tpu.memref_squeeze %dma_wait3A_117 : memref<1x625x32xi32, #tpu.memory_space<hbm>> -> memref<625x32xi32, #tpu.memory_space<hbm>>
        %dma_wait3A_119 = arith.constant 0 : i32
        %dma_wait3A_120 = arith.constant 0 : i32
        %dma_wait3A_121 = tpu.memref_slice %arg5[%arg1, %dma_wait3A_119, %dma_wait3A_120] : memref<16x625x32xi32, #tpu.memory_space<hbm>> -> memref<1x625x32xi32, #tpu.memory_space<hbm>>
        %dma_wait3A_122 = tpu.memref_squeeze %dma_wait3A_121 : memref<1x625x32xi32, #tpu.memory_space<hbm>> -> memref<625x32xi32, #tpu.memory_space<hbm>>
        tpu.wait_dma2 semaphore(%run_scoped3A : memref<!tpu.dma_semaphore, #tpu.memory_space<semaphore_mem>>) src(%dma_wait3A_122 : memref<625x32xi32, #tpu.memory_space<hbm>>) dst(%arg9 : memref<625x32xi32, #tpu.memory_space<vmem>>)
        tpu.yield
      }) : () -> ()
      "tpu.region"() ({
        %run_scoped3A = tpu.sem_alloc : memref<!tpu.dma_semaphore, #tpu.memory_space<semaphore_mem>>
        %dma_start3A = arith.constant 0 : i32
        %dma_start3A_109 = arith.constant 0 : i32
        %dma_start3A_110 = tpu.memref_slice %arg6[%arg1, %dma_start3A, %dma_start3A_109] : memref<16x625x32xi32, #tpu.memory_space<hbm>> -> memref<1x625x32xi32, #tpu.memory_space<hbm>>
        %dma_start3A_111 = tpu.memref_squeeze %dma_start3A_110 : memref<1x625x32xi32, #tpu.memory_space<hbm>> -> memref<625x32xi32, #tpu.memory_space<hbm>>
        %dma_start3A_112 = arith.constant 0 : i32
        %dma_start3A_113 = arith.constant 0 : i32
        %dma_start3A_114 = tpu.memref_slice %arg6[%arg1, %dma_start3A_112, %dma_start3A_113] : memref<16x625x32xi32, #tpu.memory_space<hbm>> -> memref<1x625x32xi32, #tpu.memory_space<hbm>>
        %dma_start3A_115 = tpu.memref_squeeze %dma_start3A_114 : memref<1x625x32xi32, #tpu.memory_space<hbm>> -> memref<625x32xi32, #tpu.memory_space<hbm>>
        tpu.enqueue_dma source(%dma_start3A_115 : memref<625x32xi32, #tpu.memory_space<hbm>>) target(%arg10 : memref<625x32xi32, #tpu.memory_space<vmem>>) target_semaphore(%run_scoped3A : memref<!tpu.dma_semaphore, #tpu.memory_space<semaphore_mem>>)
        %dma_wait3A = arith.constant 0 : i32
        %dma_wait3A_116 = arith.constant 0 : i32
        %dma_wait3A_117 = tpu.memref_slice %arg6[%arg1, %dma_wait3A, %dma_wait3A_116] : memref<16x625x32xi32, #tpu.memory_space<hbm>> -> memref<1x625x32xi32, #tpu.memory_space<hbm>>
        %dma_wait3A_118 = tpu.memref_squeeze %dma_wait3A_117 : memref<1x625x32xi32, #tpu.memory_space<hbm>> -> memref<625x32xi32, #tpu.memory_space<hbm>>
        %dma_wait3A_119 = arith.constant 0 : i32
        %dma_wait3A_120 = arith.constant 0 : i32
        %dma_wait3A_121 = tpu.memref_slice %arg6[%arg1, %dma_wait3A_119, %dma_wait3A_120] : memref<16x625x32xi32, #tpu.memory_space<hbm>> -> memref<1x625x32xi32, #tpu.memory_space<hbm>>
        %dma_wait3A_122 = tpu.memref_squeeze %dma_wait3A_121 : memref<1x625x32xi32, #tpu.memory_space<hbm>> -> memref<625x32xi32, #tpu.memory_space<hbm>>
        tpu.wait_dma2 semaphore(%run_scoped3A : memref<!tpu.dma_semaphore, #tpu.memory_space<semaphore_mem>>) src(%dma_wait3A_122 : memref<625x32xi32, #tpu.memory_space<hbm>>) dst(%arg10 : memref<625x32xi32, #tpu.memory_space<vmem>>)
        tpu.yield
      }) : () -> ()
    } else {
    }
    %mul3A = arith.constant 640 : i32
    %mul3A_12 = arith.muli %arg1, %mul3A : i32
    %add3A = arith.constant 0 : i32
    %add3A_13 = arith.addi %mul3A_12, %add3A : i32
    "tpu.region"() ({
      %run_scoped3A = tpu.sem_alloc : memref<!tpu.dma_semaphore, #tpu.memory_space<semaphore_mem>>
      %dma_start3A = arith.constant 0 : i32
      %dma_start3A_109 = tpu.memref_slice %arg14[%add3A_13, %dma_start3A] : memref<10240x128xf32, #tpu.memory_space<vmem_shared>> -> memref<32x128xf32, #tpu.memory_space<vmem_shared>>
      %dma_start3A_110 = arith.constant 0 : i32
      %dma_start3A_111 = tpu.memref_slice %arg14[%add3A_13, %dma_start3A_110] : memref<10240x128xf32, #tpu.memory_space<vmem_shared>> -> memref<32x128xf32, #tpu.memory_space<vmem_shared>>
      tpu.enqueue_dma source(%arg11 : memref<32x128xf32, #tpu.memory_space<vmem>>) target(%dma_start3A_111 : memref<32x128xf32, #tpu.memory_space<vmem_shared>>) target_semaphore(%run_scoped3A : memref<!tpu.dma_semaphore, #tpu.memory_space<semaphore_mem>>)
      %dma_wait3A = arith.constant 0 : i32
      %dma_wait3A_112 = tpu.memref_slice %arg14[%add3A_13, %dma_wait3A] : memref<10240x128xf32, #tpu.memory_space<vmem_shared>> -> memref<32x128xf32, #tpu.memory_space<vmem_shared>>
      %dma_wait3A_113 = arith.constant 0 : i32
      %dma_wait3A_114 = tpu.memref_slice %arg14[%add3A_13, %dma_wait3A_113] : memref<10240x128xf32, #tpu.memory_space<vmem_shared>> -> memref<32x128xf32, #tpu.memory_space<vmem_shared>>
      tpu.wait_dma2 semaphore(%run_scoped3A : memref<!tpu.dma_semaphore, #tpu.memory_space<semaphore_mem>>) src(%arg11 : memref<32x128xf32, #tpu.memory_space<vmem>>) dst(%dma_wait3A_114 : memref<32x128xf32, #tpu.memory_space<vmem_shared>>)
      tpu.yield
    }) : () -> ()
    %mul3A_14 = arith.constant 640 : i32
    %mul3A_15 = arith.muli %arg1, %mul3A_14 : i32
    %add3A_16 = arith.constant 32 : i32
    %add3A_17 = arith.addi %mul3A_15, %add3A_16 : i32
    "tpu.region"() ({
      %run_scoped3A = tpu.sem_alloc : memref<!tpu.dma_semaphore, #tpu.memory_space<semaphore_mem>>
      %dma_start3A = arith.constant 0 : i32
      %dma_start3A_109 = tpu.memref_slice %arg14[%add3A_17, %dma_start3A] : memref<10240x128xf32, #tpu.memory_space<vmem_shared>> -> memref<32x128xf32, #tpu.memory_space<vmem_shared>>
      %dma_start3A_110 = arith.constant 0 : i32
      %dma_start3A_111 = tpu.memref_slice %arg14[%add3A_17, %dma_start3A_110] : memref<10240x128xf32, #tpu.memory_space<vmem_shared>> -> memref<32x128xf32, #tpu.memory_space<vmem_shared>>
      tpu.enqueue_dma source(%arg11 : memref<32x128xf32, #tpu.memory_space<vmem>>) target(%dma_start3A_111 : memref<32x128xf32, #tpu.memory_space<vmem_shared>>) target_semaphore(%run_scoped3A : memref<!tpu.dma_semaphore, #tpu.memory_space<semaphore_mem>>)
      %dma_wait3A = arith.constant 0 : i32
      %dma_wait3A_112 = tpu.memref_slice %arg14[%add3A_17, %dma_wait3A] : memref<10240x128xf32, #tpu.memory_space<vmem_shared>> -> memref<32x128xf32, #tpu.memory_space<vmem_shared>>
      %dma_wait3A_113 = arith.constant 0 : i32
      %dma_wait3A_114 = tpu.memref_slice %arg14[%add3A_17, %dma_wait3A_113] : memref<10240x128xf32, #tpu.memory_space<vmem_shared>> -> memref<32x128xf32, #tpu.memory_space<vmem_shared>>
      tpu.wait_dma2 semaphore(%run_scoped3A : memref<!tpu.dma_semaphore, #tpu.memory_space<semaphore_mem>>) src(%arg11 : memref<32x128xf32, #tpu.memory_space<vmem>>) dst(%dma_wait3A_114 : memref<32x128xf32, #tpu.memory_space<vmem_shared>>)
      tpu.yield
    }) : () -> ()
    %mul3A_18 = arith.constant 640 : i32
    %mul3A_19 = arith.muli %arg1, %mul3A_18 : i32
    %add3A_20 = arith.constant 64 : i32
    %add3A_21 = arith.addi %mul3A_19, %add3A_20 : i32
    "tpu.region"() ({
      %run_scoped3A = tpu.sem_alloc : memref<!tpu.dma_semaphore, #tpu.memory_space<semaphore_mem>>
      %dma_start3A = arith.constant 0 : i32
      %dma_start3A_109 = tpu.memref_slice %arg14[%add3A_21, %dma_start3A] : memref<10240x128xf32, #tpu.memory_space<vmem_shared>> -> memref<32x128xf32, #tpu.memory_space<vmem_shared>>
      %dma_start3A_110 = arith.constant 0 : i32
      %dma_start3A_111 = tpu.memref_slice %arg14[%add3A_21, %dma_start3A_110] : memref<10240x128xf32, #tpu.memory_space<vmem_shared>> -> memref<32x128xf32, #tpu.memory_space<vmem_shared>>
      tpu.enqueue_dma source(%arg11 : memref<32x128xf32, #tpu.memory_space<vmem>>) target(%dma_start3A_111 : memref<32x128xf32, #tpu.memory_space<vmem_shared>>) target_semaphore(%run_scoped3A : memref<!tpu.dma_semaphore, #tpu.memory_space<semaphore_mem>>)
      %dma_wait3A = arith.constant 0 : i32
      %dma_wait3A_112 = tpu.memref_slice %arg14[%add3A_21, %dma_wait3A] : memref<10240x128xf32, #tpu.memory_space<vmem_shared>> -> memref<32x128xf32, #tpu.memory_space<vmem_shared>>
      %dma_wait3A_113 = arith.constant 0 : i32
      %dma_wait3A_114 = tpu.memref_slice %arg14[%add3A_21, %dma_wait3A_113] : memref<10240x128xf32, #tpu.memory_space<vmem_shared>> -> memref<32x128xf32, #tpu.memory_space<vmem_shared>>
      tpu.wait_dma2 semaphore(%run_scoped3A : memref<!tpu.dma_semaphore, #tpu.memory_space<semaphore_mem>>) src(%arg11 : memref<32x128xf32, #tpu.memory_space<vmem>>) dst(%dma_wait3A_114 : memref<32x128xf32, #tpu.memory_space<vmem_shared>>)
      tpu.yield
    }) : () -> ()
    %mul3A_22 = arith.constant 640 : i32
    %mul3A_23 = arith.muli %arg1, %mul3A_22 : i32
    %add3A_24 = arith.constant 96 : i32
    %add3A_25 = arith.addi %mul3A_23, %add3A_24 : i32
    "tpu.region"() ({
      %run_scoped3A = tpu.sem_alloc : memref<!tpu.dma_semaphore, #tpu.memory_space<semaphore_mem>>
      %dma_start3A = arith.constant 0 : i32
      %dma_start3A_109 = tpu.memref_slice %arg14[%add3A_25, %dma_start3A] : memref<10240x128xf32, #tpu.memory_space<vmem_shared>> -> memref<32x128xf32, #tpu.memory_space<vmem_shared>>
      %dma_start3A_110 = arith.constant 0 : i32
      %dma_start3A_111 = tpu.memref_slice %arg14[%add3A_25, %dma_start3A_110] : memref<10240x128xf32, #tpu.memory_space<vmem_shared>> -> memref<32x128xf32, #tpu.memory_space<vmem_shared>>
      tpu.enqueue_dma source(%arg11 : memref<32x128xf32, #tpu.memory_space<vmem>>) target(%dma_start3A_111 : memref<32x128xf32, #tpu.memory_space<vmem_shared>>) target_semaphore(%run_scoped3A : memref<!tpu.dma_semaphore, #tpu.memory_space<semaphore_mem>>)
      %dma_wait3A = arith.constant 0 : i32
      %dma_wait3A_112 = tpu.memref_slice %arg14[%add3A_25, %dma_wait3A] : memref<10240x128xf32, #tpu.memory_space<vmem_shared>> -> memref<32x128xf32, #tpu.memory_space<vmem_shared>>
      %dma_wait3A_113 = arith.constant 0 : i32
      %dma_wait3A_114 = tpu.memref_slice %arg14[%add3A_25, %dma_wait3A_113] : memref<10240x128xf32, #tpu.memory_space<vmem_shared>> -> memref<32x128xf32, #tpu.memory_space<vmem_shared>>
      tpu.wait_dma2 semaphore(%run_scoped3A : memref<!tpu.dma_semaphore, #tpu.memory_space<semaphore_mem>>) src(%arg11 : memref<32x128xf32, #tpu.memory_space<vmem>>) dst(%dma_wait3A_114 : memref<32x128xf32, #tpu.memory_space<vmem_shared>>)
      tpu.yield
    }) : () -> ()
    %mul3A_26 = arith.constant 640 : i32
    %mul3A_27 = arith.muli %arg1, %mul3A_26 : i32
    %add3A_28 = arith.constant 128 : i32
    %add3A_29 = arith.addi %mul3A_27, %add3A_28 : i32
    "tpu.region"() ({
      %run_scoped3A = tpu.sem_alloc : memref<!tpu.dma_semaphore, #tpu.memory_space<semaphore_mem>>
      %dma_start3A = arith.constant 0 : i32
      %dma_start3A_109 = tpu.memref_slice %arg14[%add3A_29, %dma_start3A] : memref<10240x128xf32, #tpu.memory_space<vmem_shared>> -> memref<32x128xf32, #tpu.memory_space<vmem_shared>>
      %dma_start3A_110 = arith.constant 0 : i32
      %dma_start3A_111 = tpu.memref_slice %arg14[%add3A_29, %dma_start3A_110] : memref<10240x128xf32, #tpu.memory_space<vmem_shared>> -> memref<32x128xf32, #tpu.memory_space<vmem_shared>>
      tpu.enqueue_dma source(%arg11 : memref<32x128xf32, #tpu.memory_space<vmem>>) target(%dma_start3A_111 : memref<32x128xf32, #tpu.memory_space<vmem_shared>>) target_semaphore(%run_scoped3A : memref<!tpu.dma_semaphore, #tpu.memory_space<semaphore_mem>>)
      %dma_wait3A = arith.constant 0 : i32
      %dma_wait3A_112 = tpu.memref_slice %arg14[%add3A_29, %dma_wait3A] : memref<10240x128xf32, #tpu.memory_space<vmem_shared>> -> memref<32x128xf32, #tpu.memory_space<vmem_shared>>
      %dma_wait3A_113 = arith.constant 0 : i32
      %dma_wait3A_114 = tpu.memref_slice %arg14[%add3A_29, %dma_wait3A_113] : memref<10240x128xf32, #tpu.memory_space<vmem_shared>> -> memref<32x128xf32, #tpu.memory_space<vmem_shared>>
      tpu.wait_dma2 semaphore(%run_scoped3A : memref<!tpu.dma_semaphore, #tpu.memory_space<semaphore_mem>>) src(%arg11 : memref<32x128xf32, #tpu.memory_space<vmem>>) dst(%dma_wait3A_114 : memref<32x128xf32, #tpu.memory_space<vmem_shared>>)
      tpu.yield
    }) : () -> ()
    %mul3A_30 = arith.constant 640 : i32
    %mul3A_31 = arith.muli %arg1, %mul3A_30 : i32
    %add3A_32 = arith.constant 160 : i32
    %add3A_33 = arith.addi %mul3A_31, %add3A_32 : i32
    "tpu.region"() ({
      %run_scoped3A = tpu.sem_alloc : memref<!tpu.dma_semaphore, #tpu.memory_space<semaphore_mem>>
      %dma_start3A = arith.constant 0 : i32
      %dma_start3A_109 = tpu.memref_slice %arg14[%add3A_33, %dma_start3A] : memref<10240x128xf32, #tpu.memory_space<vmem_shared>> -> memref<32x128xf32, #tpu.memory_space<vmem_shared>>
      %dma_start3A_110 = arith.constant 0 : i32
      %dma_start3A_111 = tpu.memref_slice %arg14[%add3A_33, %dma_start3A_110] : memref<10240x128xf32, #tpu.memory_space<vmem_shared>> -> memref<32x128xf32, #tpu.memory_space<vmem_shared>>
      tpu.enqueue_dma source(%arg11 : memref<32x128xf32, #tpu.memory_space<vmem>>) target(%dma_start3A_111 : memref<32x128xf32, #tpu.memory_space<vmem_shared>>) target_semaphore(%run_scoped3A : memref<!tpu.dma_semaphore, #tpu.memory_space<semaphore_mem>>)
      %dma_wait3A = arith.constant 0 : i32
      %dma_wait3A_112 = tpu.memref_slice %arg14[%add3A_33, %dma_wait3A] : memref<10240x128xf32, #tpu.memory_space<vmem_shared>> -> memref<32x128xf32, #tpu.memory_space<vmem_shared>>
      %dma_wait3A_113 = arith.constant 0 : i32
      %dma_wait3A_114 = tpu.memref_slice %arg14[%add3A_33, %dma_wait3A_113] : memref<10240x128xf32, #tpu.memory_space<vmem_shared>> -> memref<32x128xf32, #tpu.memory_space<vmem_shared>>
      tpu.wait_dma2 semaphore(%run_scoped3A : memref<!tpu.dma_semaphore, #tpu.memory_space<semaphore_mem>>) src(%arg11 : memref<32x128xf32, #tpu.memory_space<vmem>>) dst(%dma_wait3A_114 : memref<32x128xf32, #tpu.memory_space<vmem_shared>>)
      tpu.yield
    }) : () -> ()
    %mul3A_34 = arith.constant 640 : i32
    %mul3A_35 = arith.muli %arg1, %mul3A_34 : i32
    %add3A_36 = arith.constant 192 : i32
    %add3A_37 = arith.addi %mul3A_35, %add3A_36 : i32
    "tpu.region"() ({
      %run_scoped3A = tpu.sem_alloc : memref<!tpu.dma_semaphore, #tpu.memory_space<semaphore_mem>>
      %dma_start3A = arith.constant 0 : i32
      %dma_start3A_109 = tpu.memref_slice %arg14[%add3A_37, %dma_start3A] : memref<10240x128xf32, #tpu.memory_space<vmem_shared>> -> memref<32x128xf32, #tpu.memory_space<vmem_shared>>
      %dma_start3A_110 = arith.constant 0 : i32
      %dma_start3A_111 = tpu.memref_slice %arg14[%add3A_37, %dma_start3A_110] : memref<10240x128xf32, #tpu.memory_space<vmem_shared>> -> memref<32x128xf32, #tpu.memory_space<vmem_shared>>
      tpu.enqueue_dma source(%arg11 : memref<32x128xf32, #tpu.memory_space<vmem>>) target(%dma_start3A_111 : memref<32x128xf32, #tpu.memory_space<vmem_shared>>) target_semaphore(%run_scoped3A : memref<!tpu.dma_semaphore, #tpu.memory_space<semaphore_mem>>)
      %dma_wait3A = arith.constant 0 : i32
      %dma_wait3A_112 = tpu.memref_slice %arg14[%add3A_37, %dma_wait3A] : memref<10240x128xf32, #tpu.memory_space<vmem_shared>> -> memref<32x128xf32, #tpu.memory_space<vmem_shared>>
      %dma_wait3A_113 = arith.constant 0 : i32
      %dma_wait3A_114 = tpu.memref_slice %arg14[%add3A_37, %dma_wait3A_113] : memref<10240x128xf32, #tpu.memory_space<vmem_shared>> -> memref<32x128xf32, #tpu.memory_space<vmem_shared>>
      tpu.wait_dma2 semaphore(%run_scoped3A : memref<!tpu.dma_semaphore, #tpu.memory_space<semaphore_mem>>) src(%arg11 : memref<32x128xf32, #tpu.memory_space<vmem>>) dst(%dma_wait3A_114 : memref<32x128xf32, #tpu.memory_space<vmem_shared>>)
      tpu.yield
    }) : () -> ()
    %mul3A_38 = arith.constant 640 : i32
    %mul3A_39 = arith.muli %arg1, %mul3A_38 : i32
    %add3A_40 = arith.constant 224 : i32
    %add3A_41 = arith.addi %mul3A_39, %add3A_40 : i32
    "tpu.region"() ({
      %run_scoped3A = tpu.sem_alloc : memref<!tpu.dma_semaphore, #tpu.memory_space<semaphore_mem>>
      %dma_start3A = arith.constant 0 : i32
      %dma_start3A_109 = tpu.memref_slice %arg14[%add3A_41, %dma_start3A] : memref<10240x128xf32, #tpu.memory_space<vmem_shared>> -> memref<32x128xf32, #tpu.memory_space<vmem_shared>>
      %dma_start3A_110 = arith.constant 0 : i32
      %dma_start3A_111 = tpu.memref_slice %arg14[%add3A_41, %dma_start3A_110] : memref<10240x128xf32, #tpu.memory_space<vmem_shared>> -> memref<32x128xf32, #tpu.memory_space<vmem_shared>>
      tpu.enqueue_dma source(%arg11 : memref<32x128xf32, #tpu.memory_space<vmem>>) target(%dma_start3A_111 : memref<32x128xf32, #tpu.memory_space<vmem_shared>>) target_semaphore(%run_scoped3A : memref<!tpu.dma_semaphore, #tpu.memory_space<semaphore_mem>>)
      %dma_wait3A = arith.constant 0 : i32
      %dma_wait3A_112 = tpu.memref_slice %arg14[%add3A_41, %dma_wait3A] : memref<10240x128xf32, #tpu.memory_space<vmem_shared>> -> memref<32x128xf32, #tpu.memory_space<vmem_shared>>
      %dma_wait3A_113 = arith.constant 0 : i32
      %dma_wait3A_114 = tpu.memref_slice %arg14[%add3A_41, %dma_wait3A_113] : memref<10240x128xf32, #tpu.memory_space<vmem_shared>> -> memref<32x128xf32, #tpu.memory_space<vmem_shared>>
      tpu.wait_dma2 semaphore(%run_scoped3A : memref<!tpu.dma_semaphore, #tpu.memory_space<semaphore_mem>>) src(%arg11 : memref<32x128xf32, #tpu.memory_space<vmem>>) dst(%dma_wait3A_114 : memref<32x128xf32, #tpu.memory_space<vmem_shared>>)
      tpu.yield
    }) : () -> ()
    %mul3A_42 = arith.constant 640 : i32
    %mul3A_43 = arith.muli %arg1, %mul3A_42 : i32
    %add3A_44 = arith.constant 256 : i32
    %add3A_45 = arith.addi %mul3A_43, %add3A_44 : i32
    "tpu.region"() ({
      %run_scoped3A = tpu.sem_alloc : memref<!tpu.dma_semaphore, #tpu.memory_space<semaphore_mem>>
      %dma_start3A = arith.constant 0 : i32
      %dma_start3A_109 = tpu.memref_slice %arg14[%add3A_45, %dma_start3A] : memref<10240x128xf32, #tpu.memory_space<vmem_shared>> -> memref<32x128xf32, #tpu.memory_space<vmem_shared>>
      %dma_start3A_110 = arith.constant 0 : i32
      %dma_start3A_111 = tpu.memref_slice %arg14[%add3A_45, %dma_start3A_110] : memref<10240x128xf32, #tpu.memory_space<vmem_shared>> -> memref<32x128xf32, #tpu.memory_space<vmem_shared>>
      tpu.enqueue_dma source(%arg11 : memref<32x128xf32, #tpu.memory_space<vmem>>) target(%dma_start3A_111 : memref<32x128xf32, #tpu.memory_space<vmem_shared>>) target_semaphore(%run_scoped3A : memref<!tpu.dma_semaphore, #tpu.memory_space<semaphore_mem>>)
      %dma_wait3A = arith.constant 0 : i32
      %dma_wait3A_112 = tpu.memref_slice %arg14[%add3A_45, %dma_wait3A] : memref<10240x128xf32, #tpu.memory_space<vmem_shared>> -> memref<32x128xf32, #tpu.memory_space<vmem_shared>>
      %dma_wait3A_113 = arith.constant 0 : i32
      %dma_wait3A_114 = tpu.memref_slice %arg14[%add3A_45, %dma_wait3A_113] : memref<10240x128xf32, #tpu.memory_space<vmem_shared>> -> memref<32x128xf32, #tpu.memory_space<vmem_shared>>
      tpu.wait_dma2 semaphore(%run_scoped3A : memref<!tpu.dma_semaphore, #tpu.memory_space<semaphore_mem>>) src(%arg11 : memref<32x128xf32, #tpu.memory_space<vmem>>) dst(%dma_wait3A_114 : memref<32x128xf32, #tpu.memory_space<vmem_shared>>)
      tpu.yield
    }) : () -> ()
    %mul3A_46 = arith.constant 640 : i32
    %mul3A_47 = arith.muli %arg1, %mul3A_46 : i32
    %add3A_48 = arith.constant 288 : i32
    %add3A_49 = arith.addi %mul3A_47, %add3A_48 : i32
    "tpu.region"() ({
      %run_scoped3A = tpu.sem_alloc : memref<!tpu.dma_semaphore, #tpu.memory_space<semaphore_mem>>
      %dma_start3A = arith.constant 0 : i32
      %dma_start3A_109 = tpu.memref_slice %arg14[%add3A_49, %dma_start3A] : memref<10240x128xf32, #tpu.memory_space<vmem_shared>> -> memref<32x128xf32, #tpu.memory_space<vmem_shared>>
      %dma_start3A_110 = arith.constant 0 : i32
      %dma_start3A_111 = tpu.memref_slice %arg14[%add3A_49, %dma_start3A_110] : memref<10240x128xf32, #tpu.memory_space<vmem_shared>> -> memref<32x128xf32, #tpu.memory_space<vmem_shared>>
      tpu.enqueue_dma source(%arg11 : memref<32x128xf32, #tpu.memory_space<vmem>>) target(%dma_start3A_111 : memref<32x128xf32, #tpu.memory_space<vmem_shared>>) target_semaphore(%run_scoped3A : memref<!tpu.dma_semaphore, #tpu.memory_space<semaphore_mem>>)
      %dma_wait3A = arith.constant 0 : i32
      %dma_wait3A_112 = tpu.memref_slice %arg14[%add3A_49, %dma_wait3A] : memref<10240x128xf32, #tpu.memory_space<vmem_shared>> -> memref<32x128xf32, #tpu.memory_space<vmem_shared>>
      %dma_wait3A_113 = arith.constant 0 : i32
      %dma_wait3A_114 = tpu.memref_slice %arg14[%add3A_49, %dma_wait3A_113] : memref<10240x128xf32, #tpu.memory_space<vmem_shared>> -> memref<32x128xf32, #tpu.memory_space<vmem_shared>>
      tpu.wait_dma2 semaphore(%run_scoped3A : memref<!tpu.dma_semaphore, #tpu.memory_space<semaphore_mem>>) src(%arg11 : memref<32x128xf32, #tpu.memory_space<vmem>>) dst(%dma_wait3A_114 : memref<32x128xf32, #tpu.memory_space<vmem_shared>>)
      tpu.yield
    }) : () -> ()
    %mul3A_50 = arith.constant 640 : i32
    %mul3A_51 = arith.muli %arg1, %mul3A_50 : i32
    %add3A_52 = arith.constant 320 : i32
    %add3A_53 = arith.addi %mul3A_51, %add3A_52 : i32
    "tpu.region"() ({
      %run_scoped3A = tpu.sem_alloc : memref<!tpu.dma_semaphore, #tpu.memory_space<semaphore_mem>>
      %dma_start3A = arith.constant 0 : i32
      %dma_start3A_109 = tpu.memref_slice %arg14[%add3A_53, %dma_start3A] : memref<10240x128xf32, #tpu.memory_space<vmem_shared>> -> memref<32x128xf32, #tpu.memory_space<vmem_shared>>
      %dma_start3A_110 = arith.constant 0 : i32
      %dma_start3A_111 = tpu.memref_slice %arg14[%add3A_53, %dma_start3A_110] : memref<10240x128xf32, #tpu.memory_space<vmem_shared>> -> memref<32x128xf32, #tpu.memory_space<vmem_shared>>
      tpu.enqueue_dma source(%arg11 : memref<32x128xf32, #tpu.memory_space<vmem>>) target(%dma_start3A_111 : memref<32x128xf32, #tpu.memory_space<vmem_shared>>) target_semaphore(%run_scoped3A : memref<!tpu.dma_semaphore, #tpu.memory_space<semaphore_mem>>)
      %dma_wait3A = arith.constant 0 : i32
      %dma_wait3A_112 = tpu.memref_slice %arg14[%add3A_53, %dma_wait3A] : memref<10240x128xf32, #tpu.memory_space<vmem_shared>> -> memref<32x128xf32, #tpu.memory_space<vmem_shared>>
      %dma_wait3A_113 = arith.constant 0 : i32
      %dma_wait3A_114 = tpu.memref_slice %arg14[%add3A_53, %dma_wait3A_113] : memref<10240x128xf32, #tpu.memory_space<vmem_shared>> -> memref<32x128xf32, #tpu.memory_space<vmem_shared>>
      tpu.wait_dma2 semaphore(%run_scoped3A : memref<!tpu.dma_semaphore, #tpu.memory_space<semaphore_mem>>) src(%arg11 : memref<32x128xf32, #tpu.memory_space<vmem>>) dst(%dma_wait3A_114 : memref<32x128xf32, #tpu.memory_space<vmem_shared>>)
      tpu.yield
    }) : () -> ()
    %mul3A_54 = arith.constant 640 : i32
    %mul3A_55 = arith.muli %arg1, %mul3A_54 : i32
    %add3A_56 = arith.constant 352 : i32
    %add3A_57 = arith.addi %mul3A_55, %add3A_56 : i32
    "tpu.region"() ({
      %run_scoped3A = tpu.sem_alloc : memref<!tpu.dma_semaphore, #tpu.memory_space<semaphore_mem>>
      %dma_start3A = arith.constant 0 : i32
      %dma_start3A_109 = tpu.memref_slice %arg14[%add3A_57, %dma_start3A] : memref<10240x128xf32, #tpu.memory_space<vmem_shared>> -> memref<32x128xf32, #tpu.memory_space<vmem_shared>>
      %dma_start3A_110 = arith.constant 0 : i32
      %dma_start3A_111 = tpu.memref_slice %arg14[%add3A_57, %dma_start3A_110] : memref<10240x128xf32, #tpu.memory_space<vmem_shared>> -> memref<32x128xf32, #tpu.memory_space<vmem_shared>>
      tpu.enqueue_dma source(%arg11 : memref<32x128xf32, #tpu.memory_space<vmem>>) target(%dma_start3A_111 : memref<32x128xf32, #tpu.memory_space<vmem_shared>>) target_semaphore(%run_scoped3A : memref<!tpu.dma_semaphore, #tpu.memory_space<semaphore_mem>>)
      %dma_wait3A = arith.constant 0 : i32
      %dma_wait3A_112 = tpu.memref_slice %arg14[%add3A_57, %dma_wait3A] : memref<10240x128xf32, #tpu.memory_space<vmem_shared>> -> memref<32x128xf32, #tpu.memory_space<vmem_shared>>
      %dma_wait3A_113 = arith.constant 0 : i32
      %dma_wait3A_114 = tpu.memref_slice %arg14[%add3A_57, %dma_wait3A_113] : memref<10240x128xf32, #tpu.memory_space<vmem_shared>> -> memref<32x128xf32, #tpu.memory_space<vmem_shared>>
      tpu.wait_dma2 semaphore(%run_scoped3A : memref<!tpu.dma_semaphore, #tpu.memory_space<semaphore_mem>>) src(%arg11 : memref<32x128xf32, #tpu.memory_space<vmem>>) dst(%dma_wait3A_114 : memref<32x128xf32, #tpu.memory_space<vmem_shared>>)
      tpu.yield
    }) : () -> ()
    %mul3A_58 = arith.constant 640 : i32
    %mul3A_59 = arith.muli %arg1, %mul3A_58 : i32
    %add3A_60 = arith.constant 384 : i32
    %add3A_61 = arith.addi %mul3A_59, %add3A_60 : i32
    "tpu.region"() ({
      %run_scoped3A = tpu.sem_alloc : memref<!tpu.dma_semaphore, #tpu.memory_space<semaphore_mem>>
      %dma_start3A = arith.constant 0 : i32
      %dma_start3A_109 = tpu.memref_slice %arg14[%add3A_61, %dma_start3A] : memref<10240x128xf32, #tpu.memory_space<vmem_shared>> -> memref<32x128xf32, #tpu.memory_space<vmem_shared>>
      %dma_start3A_110 = arith.constant 0 : i32
      %dma_start3A_111 = tpu.memref_slice %arg14[%add3A_61, %dma_start3A_110] : memref<10240x128xf32, #tpu.memory_space<vmem_shared>> -> memref<32x128xf32, #tpu.memory_space<vmem_shared>>
      tpu.enqueue_dma source(%arg11 : memref<32x128xf32, #tpu.memory_space<vmem>>) target(%dma_start3A_111 : memref<32x128xf32, #tpu.memory_space<vmem_shared>>) target_semaphore(%run_scoped3A : memref<!tpu.dma_semaphore, #tpu.memory_space<semaphore_mem>>)
      %dma_wait3A = arith.constant 0 : i32
      %dma_wait3A_112 = tpu.memref_slice %arg14[%add3A_61, %dma_wait3A] : memref<10240x128xf32, #tpu.memory_space<vmem_shared>> -> memref<32x128xf32, #tpu.memory_space<vmem_shared>>
      %dma_wait3A_113 = arith.constant 0 : i32
      %dma_wait3A_114 = tpu.memref_slice %arg14[%add3A_61, %dma_wait3A_113] : memref<10240x128xf32, #tpu.memory_space<vmem_shared>> -> memref<32x128xf32, #tpu.memory_space<vmem_shared>>
      tpu.wait_dma2 semaphore(%run_scoped3A : memref<!tpu.dma_semaphore, #tpu.memory_space<semaphore_mem>>) src(%arg11 : memref<32x128xf32, #tpu.memory_space<vmem>>) dst(%dma_wait3A_114 : memref<32x128xf32, #tpu.memory_space<vmem_shared>>)
      tpu.yield
    }) : () -> ()
    %mul3A_62 = arith.constant 640 : i32
    %mul3A_63 = arith.muli %arg1, %mul3A_62 : i32
    %add3A_64 = arith.constant 416 : i32
    %add3A_65 = arith.addi %mul3A_63, %add3A_64 : i32
    "tpu.region"() ({
      %run_scoped3A = tpu.sem_alloc : memref<!tpu.dma_semaphore, #tpu.memory_space<semaphore_mem>>
      %dma_start3A = arith.constant 0 : i32
      %dma_start3A_109 = tpu.memref_slice %arg14[%add3A_65, %dma_start3A] : memref<10240x128xf32, #tpu.memory_space<vmem_shared>> -> memref<32x128xf32, #tpu.memory_space<vmem_shared>>
      %dma_start3A_110 = arith.constant 0 : i32
      %dma_start3A_111 = tpu.memref_slice %arg14[%add3A_65, %dma_start3A_110] : memref<10240x128xf32, #tpu.memory_space<vmem_shared>> -> memref<32x128xf32, #tpu.memory_space<vmem_shared>>
      tpu.enqueue_dma source(%arg11 : memref<32x128xf32, #tpu.memory_space<vmem>>) target(%dma_start3A_111 : memref<32x128xf32, #tpu.memory_space<vmem_shared>>) target_semaphore(%run_scoped3A : memref<!tpu.dma_semaphore, #tpu.memory_space<semaphore_mem>>)
      %dma_wait3A = arith.constant 0 : i32
      %dma_wait3A_112 = tpu.memref_slice %arg14[%add3A_65, %dma_wait3A] : memref<10240x128xf32, #tpu.memory_space<vmem_shared>> -> memref<32x128xf32, #tpu.memory_space<vmem_shared>>
      %dma_wait3A_113 = arith.constant 0 : i32
      %dma_wait3A_114 = tpu.memref_slice %arg14[%add3A_65, %dma_wait3A_113] : memref<10240x128xf32, #tpu.memory_space<vmem_shared>> -> memref<32x128xf32, #tpu.memory_space<vmem_shared>>
      tpu.wait_dma2 semaphore(%run_scoped3A : memref<!tpu.dma_semaphore, #tpu.memory_space<semaphore_mem>>) src(%arg11 : memref<32x128xf32, #tpu.memory_space<vmem>>) dst(%dma_wait3A_114 : memref<32x128xf32, #tpu.memory_space<vmem_shared>>)
      tpu.yield
    }) : () -> ()
    %mul3A_66 = arith.constant 640 : i32
    %mul3A_67 = arith.muli %arg1, %mul3A_66 : i32
    %add3A_68 = arith.constant 448 : i32
    %add3A_69 = arith.addi %mul3A_67, %add3A_68 : i32
    "tpu.region"() ({
      %run_scoped3A = tpu.sem_alloc : memref<!tpu.dma_semaphore, #tpu.memory_space<semaphore_mem>>
      %dma_start3A = arith.constant 0 : i32
      %dma_start3A_109 = tpu.memref_slice %arg14[%add3A_69, %dma_start3A] : memref<10240x128xf32, #tpu.memory_space<vmem_shared>> -> memref<32x128xf32, #tpu.memory_space<vmem_shared>>
      %dma_start3A_110 = arith.constant 0 : i32
      %dma_start3A_111 = tpu.memref_slice %arg14[%add3A_69, %dma_start3A_110] : memref<10240x128xf32, #tpu.memory_space<vmem_shared>> -> memref<32x128xf32, #tpu.memory_space<vmem_shared>>
      tpu.enqueue_dma source(%arg11 : memref<32x128xf32, #tpu.memory_space<vmem>>) target(%dma_start3A_111 : memref<32x128xf32, #tpu.memory_space<vmem_shared>>) target_semaphore(%run_scoped3A : memref<!tpu.dma_semaphore, #tpu.memory_space<semaphore_mem>>)
      %dma_wait3A = arith.constant 0 : i32
      %dma_wait3A_112 = tpu.memref_slice %arg14[%add3A_69, %dma_wait3A] : memref<10240x128xf32, #tpu.memory_space<vmem_shared>> -> memref<32x128xf32, #tpu.memory_space<vmem_shared>>
      %dma_wait3A_113 = arith.constant 0 : i32
      %dma_wait3A_114 = tpu.memref_slice %arg14[%add3A_69, %dma_wait3A_113] : memref<10240x128xf32, #tpu.memory_space<vmem_shared>> -> memref<32x128xf32, #tpu.memory_space<vmem_shared>>
      tpu.wait_dma2 semaphore(%run_scoped3A : memref<!tpu.dma_semaphore, #tpu.memory_space<semaphore_mem>>) src(%arg11 : memref<32x128xf32, #tpu.memory_space<vmem>>) dst(%dma_wait3A_114 : memref<32x128xf32, #tpu.memory_space<vmem_shared>>)
      tpu.yield
    }) : () -> ()
    %mul3A_70 = arith.constant 640 : i32
    %mul3A_71 = arith.muli %arg1, %mul3A_70 : i32
    %add3A_72 = arith.constant 480 : i32
    %add3A_73 = arith.addi %mul3A_71, %add3A_72 : i32
    "tpu.region"() ({
      %run_scoped3A = tpu.sem_alloc : memref<!tpu.dma_semaphore, #tpu.memory_space<semaphore_mem>>
      %dma_start3A = arith.constant 0 : i32
      %dma_start3A_109 = tpu.memref_slice %arg14[%add3A_73, %dma_start3A] : memref<10240x128xf32, #tpu.memory_space<vmem_shared>> -> memref<32x128xf32, #tpu.memory_space<vmem_shared>>
      %dma_start3A_110 = arith.constant 0 : i32
      %dma_start3A_111 = tpu.memref_slice %arg14[%add3A_73, %dma_start3A_110] : memref<10240x128xf32, #tpu.memory_space<vmem_shared>> -> memref<32x128xf32, #tpu.memory_space<vmem_shared>>
      tpu.enqueue_dma source(%arg11 : memref<32x128xf32, #tpu.memory_space<vmem>>) target(%dma_start3A_111 : memref<32x128xf32, #tpu.memory_space<vmem_shared>>) target_semaphore(%run_scoped3A : memref<!tpu.dma_semaphore, #tpu.memory_space<semaphore_mem>>)
      %dma_wait3A = arith.constant 0 : i32
      %dma_wait3A_112 = tpu.memref_slice %arg14[%add3A_73, %dma_wait3A] : memref<10240x128xf32, #tpu.memory_space<vmem_shared>> -> memref<32x128xf32, #tpu.memory_space<vmem_shared>>
      %dma_wait3A_113 = arith.constant 0 : i32
      %dma_wait3A_114 = tpu.memref_slice %arg14[%add3A_73, %dma_wait3A_113] : memref<10240x128xf32, #tpu.memory_space<vmem_shared>> -> memref<32x128xf32, #tpu.memory_space<vmem_shared>>
      tpu.wait_dma2 semaphore(%run_scoped3A : memref<!tpu.dma_semaphore, #tpu.memory_space<semaphore_mem>>) src(%arg11 : memref<32x128xf32, #tpu.memory_space<vmem>>) dst(%dma_wait3A_114 : memref<32x128xf32, #tpu.memory_space<vmem_shared>>)
      tpu.yield
    }) : () -> ()
    %mul3A_74 = arith.constant 640 : i32
    %mul3A_75 = arith.muli %arg1, %mul3A_74 : i32
    %add3A_76 = arith.constant 512 : i32
    %add3A_77 = arith.addi %mul3A_75, %add3A_76 : i32
    "tpu.region"() ({
      %run_scoped3A = tpu.sem_alloc : memref<!tpu.dma_semaphore, #tpu.memory_space<semaphore_mem>>
      %dma_start3A = arith.constant 0 : i32
      %dma_start3A_109 = tpu.memref_slice %arg14[%add3A_77, %dma_start3A] : memref<10240x128xf32, #tpu.memory_space<vmem_shared>> -> memref<32x128xf32, #tpu.memory_space<vmem_shared>>
      %dma_start3A_110 = arith.constant 0 : i32
      %dma_start3A_111 = tpu.memref_slice %arg14[%add3A_77, %dma_start3A_110] : memref<10240x128xf32, #tpu.memory_space<vmem_shared>> -> memref<32x128xf32, #tpu.memory_space<vmem_shared>>
      tpu.enqueue_dma source(%arg11 : memref<32x128xf32, #tpu.memory_space<vmem>>) target(%dma_start3A_111 : memref<32x128xf32, #tpu.memory_space<vmem_shared>>) target_semaphore(%run_scoped3A : memref<!tpu.dma_semaphore, #tpu.memory_space<semaphore_mem>>)
      %dma_wait3A = arith.constant 0 : i32
      %dma_wait3A_112 = tpu.memref_slice %arg14[%add3A_77, %dma_wait3A] : memref<10240x128xf32, #tpu.memory_space<vmem_shared>> -> memref<32x128xf32, #tpu.memory_space<vmem_shared>>
      %dma_wait3A_113 = arith.constant 0 : i32
      %dma_wait3A_114 = tpu.memref_slice %arg14[%add3A_77, %dma_wait3A_113] : memref<10240x128xf32, #tpu.memory_space<vmem_shared>> -> memref<32x128xf32, #tpu.memory_space<vmem_shared>>
      tpu.wait_dma2 semaphore(%run_scoped3A : memref<!tpu.dma_semaphore, #tpu.memory_space<semaphore_mem>>) src(%arg11 : memref<32x128xf32, #tpu.memory_space<vmem>>) dst(%dma_wait3A_114 : memref<32x128xf32, #tpu.memory_space<vmem_shared>>)
      tpu.yield
    }) : () -> ()
    %mul3A_78 = arith.constant 640 : i32
    %mul3A_79 = arith.muli %arg1, %mul3A_78 : i32
    %add3A_80 = arith.constant 544 : i32
    %add3A_81 = arith.addi %mul3A_79, %add3A_80 : i32
    "tpu.region"() ({
      %run_scoped3A = tpu.sem_alloc : memref<!tpu.dma_semaphore, #tpu.memory_space<semaphore_mem>>
      %dma_start3A = arith.constant 0 : i32
      %dma_start3A_109 = tpu.memref_slice %arg14[%add3A_81, %dma_start3A] : memref<10240x128xf32, #tpu.memory_space<vmem_shared>> -> memref<32x128xf32, #tpu.memory_space<vmem_shared>>
      %dma_start3A_110 = arith.constant 0 : i32
      %dma_start3A_111 = tpu.memref_slice %arg14[%add3A_81, %dma_start3A_110] : memref<10240x128xf32, #tpu.memory_space<vmem_shared>> -> memref<32x128xf32, #tpu.memory_space<vmem_shared>>
      tpu.enqueue_dma source(%arg11 : memref<32x128xf32, #tpu.memory_space<vmem>>) target(%dma_start3A_111 : memref<32x128xf32, #tpu.memory_space<vmem_shared>>) target_semaphore(%run_scoped3A : memref<!tpu.dma_semaphore, #tpu.memory_space<semaphore_mem>>)
      %dma_wait3A = arith.constant 0 : i32
      %dma_wait3A_112 = tpu.memref_slice %arg14[%add3A_81, %dma_wait3A] : memref<10240x128xf32, #tpu.memory_space<vmem_shared>> -> memref<32x128xf32, #tpu.memory_space<vmem_shared>>
      %dma_wait3A_113 = arith.constant 0 : i32
      %dma_wait3A_114 = tpu.memref_slice %arg14[%add3A_81, %dma_wait3A_113] : memref<10240x128xf32, #tpu.memory_space<vmem_shared>> -> memref<32x128xf32, #tpu.memory_space<vmem_shared>>
      tpu.wait_dma2 semaphore(%run_scoped3A : memref<!tpu.dma_semaphore, #tpu.memory_space<semaphore_mem>>) src(%arg11 : memref<32x128xf32, #tpu.memory_space<vmem>>) dst(%dma_wait3A_114 : memref<32x128xf32, #tpu.memory_space<vmem_shared>>)
      tpu.yield
    }) : () -> ()
    %mul3A_82 = arith.constant 640 : i32
    %mul3A_83 = arith.muli %arg1, %mul3A_82 : i32
    %add3A_84 = arith.constant 576 : i32
    %add3A_85 = arith.addi %mul3A_83, %add3A_84 : i32
    "tpu.region"() ({
      %run_scoped3A = tpu.sem_alloc : memref<!tpu.dma_semaphore, #tpu.memory_space<semaphore_mem>>
      %dma_start3A = arith.constant 0 : i32
      %dma_start3A_109 = tpu.memref_slice %arg14[%add3A_85, %dma_start3A] : memref<10240x128xf32, #tpu.memory_space<vmem_shared>> -> memref<32x128xf32, #tpu.memory_space<vmem_shared>>
      %dma_start3A_110 = arith.constant 0 : i32
      %dma_start3A_111 = tpu.memref_slice %arg14[%add3A_85, %dma_start3A_110] : memref<10240x128xf32, #tpu.memory_space<vmem_shared>> -> memref<32x128xf32, #tpu.memory_space<vmem_shared>>
      tpu.enqueue_dma source(%arg11 : memref<32x128xf32, #tpu.memory_space<vmem>>) target(%dma_start3A_111 : memref<32x128xf32, #tpu.memory_space<vmem_shared>>) target_semaphore(%run_scoped3A : memref<!tpu.dma_semaphore, #tpu.memory_space<semaphore_mem>>)
      %dma_wait3A = arith.constant 0 : i32
      %dma_wait3A_112 = tpu.memref_slice %arg14[%add3A_85, %dma_wait3A] : memref<10240x128xf32, #tpu.memory_space<vmem_shared>> -> memref<32x128xf32, #tpu.memory_space<vmem_shared>>
      %dma_wait3A_113 = arith.constant 0 : i32
      %dma_wait3A_114 = tpu.memref_slice %arg14[%add3A_85, %dma_wait3A_113] : memref<10240x128xf32, #tpu.memory_space<vmem_shared>> -> memref<32x128xf32, #tpu.memory_space<vmem_shared>>
      tpu.wait_dma2 semaphore(%run_scoped3A : memref<!tpu.dma_semaphore, #tpu.memory_space<semaphore_mem>>) src(%arg11 : memref<32x128xf32, #tpu.memory_space<vmem>>) dst(%dma_wait3A_114 : memref<32x128xf32, #tpu.memory_space<vmem_shared>>)
      tpu.yield
    }) : () -> ()
    %mul3A_86 = arith.constant 640 : i32
    %mul3A_87 = arith.muli %arg1, %mul3A_86 : i32
    %add3A_88 = arith.constant 608 : i32
    %add3A_89 = arith.addi %mul3A_87, %add3A_88 : i32
    "tpu.region"() ({
      %run_scoped3A = tpu.sem_alloc : memref<!tpu.dma_semaphore, #tpu.memory_space<semaphore_mem>>
      %dma_start3A = arith.constant 0 : i32
      %dma_start3A_109 = tpu.memref_slice %arg14[%add3A_89, %dma_start3A] : memref<10240x128xf32, #tpu.memory_space<vmem_shared>> -> memref<32x128xf32, #tpu.memory_space<vmem_shared>>
      %dma_start3A_110 = arith.constant 0 : i32
      %dma_start3A_111 = tpu.memref_slice %arg14[%add3A_89, %dma_start3A_110] : memref<10240x128xf32, #tpu.memory_space<vmem_shared>> -> memref<32x128xf32, #tpu.memory_space<vmem_shared>>
      tpu.enqueue_dma source(%arg11 : memref<32x128xf32, #tpu.memory_space<vmem>>) target(%dma_start3A_111 : memref<32x128xf32, #tpu.memory_space<vmem_shared>>) target_semaphore(%run_scoped3A : memref<!tpu.dma_semaphore, #tpu.memory_space<semaphore_mem>>)
      %dma_wait3A = arith.constant 0 : i32
      %dma_wait3A_112 = tpu.memref_slice %arg14[%add3A_89, %dma_wait3A] : memref<10240x128xf32, #tpu.memory_space<vmem_shared>> -> memref<32x128xf32, #tpu.memory_space<vmem_shared>>
      %dma_wait3A_113 = arith.constant 0 : i32
      %dma_wait3A_114 = tpu.memref_slice %arg14[%add3A_89, %dma_wait3A_113] : memref<10240x128xf32, #tpu.memory_space<vmem_shared>> -> memref<32x128xf32, #tpu.memory_space<vmem_shared>>
      tpu.wait_dma2 semaphore(%run_scoped3A : memref<!tpu.dma_semaphore, #tpu.memory_space<semaphore_mem>>) src(%arg11 : memref<32x128xf32, #tpu.memory_space<vmem>>) dst(%dma_wait3A_114 : memref<32x128xf32, #tpu.memory_space<vmem_shared>>)
      tpu.yield
    }) : () -> ()
    %barrier3A = arith.constant 0 : index
    tpu.barrier barrier_id(%barrier3A)
    %scan3A_90 = arith.constant 0 : i32
    %scan3A_91 = arith.constant 0 : i32
    %scan3A_92 = arith.constant 625 : i32
    %scan3A_93 = arith.addi %scan3A_91, %scan3A_92 : i32
    %scan3A_94 = arith.constant 1 : i32
    scf.for %scan3A_109 = %scan3A_91 to %scan3A_93 step %scan3A_94  : i32 {
      %dma_start3A = arith.constant 0 : i32
      %dma_start3A_110 = tpu.memref_slice %arg9[%scan3A_109, %dma_start3A] : memref<625x32xi32, #tpu.memory_space<vmem>> -> memref<1x32xi32, #tpu.memory_space<vmem>>
      %dma_start3A_111 = tpu.memref_squeeze %dma_start3A_110 : memref<1x32xi32, #tpu.memory_space<vmem>> -> memref<32xi32, #tpu.memory_space<vmem>>
      %dma_start3A_112 = arith.constant 0 : i32
      %dma_start3A_113 = arith.constant 0 : i32
      %dma_start3A_114 = tpu.memref_slice %arg2[%dma_start3A_112, %dma_start3A_113] : memref<10000x128xf32, #tpu.memory_space<hbm>> -> memref<10000x128xf32, #tpu.memory_space<hbm>>
      tpu.enqueue_indirect_dma source(%dma_start3A_114 : memref<10000x128xf32, #tpu.memory_space<hbm>>) target(%arg11 : memref<32x128xf32, #tpu.memory_space<vmem>>) offsets(%dma_start3A_111 : memref<32xi32, #tpu.memory_space<vmem>>) semaphore(%arg12 : memref<!tpu.dma_semaphore, #tpu.memory_space<semaphore_mem>>)
      %dma_wait3A = arith.constant 0 : i32
      %dma_wait3A_115 = tpu.memref_slice %arg9[%scan3A_109, %dma_wait3A] : memref<625x32xi32, #tpu.memory_space<vmem>> -> memref<1x32xi32, #tpu.memory_space<vmem>>
      %dma_wait3A_116 = tpu.memref_squeeze %dma_wait3A_115 : memref<1x32xi32, #tpu.memory_space<vmem>> -> memref<32xi32, #tpu.memory_space<vmem>>
      %dma_wait3A_117 = arith.constant 0 : i32
      %dma_wait3A_118 = arith.constant 0 : i32
      %dma_wait3A_119 = tpu.memref_slice %arg2[%dma_wait3A_117, %dma_wait3A_118] : memref<10000x128xf32, #tpu.memory_space<hbm>> -> memref<10000x128xf32, #tpu.memory_space<hbm>>
      tpu.wait_indirect_dma semaphore(%arg12 : memref<!tpu.dma_semaphore, #tpu.memory_space<semaphore_mem>>) src(%dma_wait3A_119 : memref<10000x128xf32, #tpu.memory_space<hbm>>) dst(%arg11 : memref<32x128xf32, #tpu.memory_space<vmem>>)
      %dma_start3A_120 = arith.constant 0 : i32
      %dma_start3A_121 = tpu.memref_slice %arg10[%scan3A_109, %dma_start3A_120] : memref<625x32xi32, #tpu.memory_space<vmem>> -> memref<1x32xi32, #tpu.memory_space<vmem>>
      %dma_start3A_122 = tpu.memref_squeeze %dma_start3A_121 : memref<1x32xi32, #tpu.memory_space<vmem>> -> memref<32xi32, #tpu.memory_space<vmem>>
      %dma_start3A_123 = arith.constant 0 : i32
      %dma_start3A_124 = arith.constant 0 : i32
      %dma_start3A_125 = tpu.memref_slice %arg14[%dma_start3A_123, %dma_start3A_124] : memref<10240x128xf32, #tpu.memory_space<vmem_shared>> -> memref<10240x128xf32, #tpu.memory_space<vmem_shared>>
      tpu.enqueue_indirect_dma source(%arg11 : memref<32x128xf32, #tpu.memory_space<vmem>>) target(%dma_start3A_125 : memref<10240x128xf32, #tpu.memory_space<vmem_shared>>) offsets(%dma_start3A_122 : memref<32xi32, #tpu.memory_space<vmem>>) semaphore(%arg13 : memref<!tpu.dma_semaphore, #tpu.memory_space<semaphore_mem>>) {add = true}
      %dma_wait3A_126 = arith.constant 0 : i32
      %dma_wait3A_127 = tpu.memref_slice %arg10[%scan3A_109, %dma_wait3A_126] : memref<625x32xi32, #tpu.memory_space<vmem>> -> memref<1x32xi32, #tpu.memory_space<vmem>>
      %dma_wait3A_128 = tpu.memref_squeeze %dma_wait3A_127 : memref<1x32xi32, #tpu.memory_space<vmem>> -> memref<32xi32, #tpu.memory_space<vmem>>
      %dma_wait3A_129 = arith.constant 0 : i32
      %dma_wait3A_130 = arith.constant 0 : i32
      %dma_wait3A_131 = tpu.memref_slice %arg14[%dma_wait3A_129, %dma_wait3A_130] : memref<10240x128xf32, #tpu.memory_space<vmem_shared>> -> memref<10240x128xf32, #tpu.memory_space<vmem_shared>>
      tpu.wait_indirect_dma semaphore(%arg13 : memref<!tpu.dma_semaphore, #tpu.memory_space<semaphore_mem>>) src(%arg11 : memref<32x128xf32, #tpu.memory_space<vmem>>) dst(%dma_wait3A_131 : memref<10240x128xf32, #tpu.memory_space<vmem_shared>>)
    }
    %scan3A_95 = arith.constant 625 : i32
    %barrier3A_96 = arith.constant 0 : index
    tpu.barrier barrier_id(%barrier3A_96)
    %mul3A_97 = arith.constant 624 : i32
    %mul3A_98 = arith.muli %arg1, %mul3A_97 : i32
    %eq3A_99 = arith.constant 0 : i32
    %eq3A_100 = arith.cmpi eq, %arg0, %eq3A_99 : i32
    %convert_element_type3A_101 = arith.extui %eq3A_100 : i1 to i32
    %cond3A_102 = arith.constant 0 : i32
    %cond3A_103 = arith.cmpi ne, %convert_element_type3A_101, %cond3A_102 : i32
    scf.if %cond3A_103 {
      "tpu.region"() ({
        %run_scoped3A = tpu.sem_alloc : memref<!tpu.dma_semaphore, #tpu.memory_space<semaphore_mem>>
        %dma_start3A = arith.constant 0 : i32
        %dma_start3A_114 = tpu.memref_slice %arg7[%mul3A_98, %dma_start3A] : memref<10000x128xf32, #tpu.memory_space<hbm>> -> memref<624x128xf32, #tpu.memory_space<hbm>>
        %dma_start3A_115 = arith.constant 0 : i32
        %dma_start3A_116 = tpu.memref_slice %arg14[%mul3A_98, %dma_start3A_115] : memref<10240x128xf32, #tpu.memory_space<vmem_shared>> -> memref<624x128xf32, #tpu.memory_space<vmem_shared>>
        tpu.enqueue_dma source(%dma_start3A_116 : memref<624x128xf32, #tpu.memory_space<vmem_shared>>) target(%dma_start3A_114 : memref<624x128xf32, #tpu.memory_space<hbm>>) target_semaphore(%run_scoped3A : memref<!tpu.dma_semaphore, #tpu.memory_space<semaphore_mem>>)
        %dma_wait3A = arith.constant 0 : i32
        %dma_wait3A_117 = tpu.memref_slice %arg7[%mul3A_98, %dma_wait3A] : memref<10000x128xf32, #tpu.memory_space<hbm>> -> memref<624x128xf32, #tpu.memory_space<hbm>>
        %dma_wait3A_118 = arith.constant 0 : i32
        %dma_wait3A_119 = tpu.memref_slice %arg14[%mul3A_98, %dma_wait3A_118] : memref<10240x128xf32, #tpu.memory_space<vmem_shared>> -> memref<624x128xf32, #tpu.memory_space<vmem_shared>>
        tpu.wait_dma2 semaphore(%run_scoped3A : memref<!tpu.dma_semaphore, #tpu.memory_space<semaphore_mem>>) src(%dma_wait3A_119 : memref<624x128xf32, #tpu.memory_space<vmem_shared>>) dst(%dma_wait3A_117 : memref<624x128xf32, #tpu.memory_space<hbm>>)
        tpu.yield
      }) : () -> ()
      %eq3A_109 = arith.constant 15 : i32
      %eq3A_110 = arith.cmpi eq, %arg1, %eq3A_109 : i32
      %convert_element_type3A_111 = arith.extui %eq3A_110 : i1 to i32
      %cond3A_112 = arith.constant 0 : i32
      %cond3A_113 = arith.cmpi ne, %convert_element_type3A_111, %cond3A_112 : i32
      scf.if %cond3A_113 {
        "tpu.region"() ({
          %run_scoped3A = tpu.sem_alloc : memref<!tpu.dma_semaphore, #tpu.memory_space<semaphore_mem>>
          %dma_start3A = arith.constant 9984 : i32
          %dma_start3A_114 = arith.constant 0 : i32
          %dma_start3A_115 = tpu.memref_slice %arg7[%dma_start3A, %dma_start3A_114] : memref<10000x128xf32, #tpu.memory_space<hbm>> -> memref<16x128xf32, #tpu.memory_space<hbm>>
          %dma_start3A_116 = arith.constant 9984 : i32
          %dma_start3A_117 = arith.constant 0 : i32
          %dma_start3A_118 = tpu.memref_slice %arg14[%dma_start3A_116, %dma_start3A_117] : memref<10240x128xf32, #tpu.memory_space<vmem_shared>> -> memref<16x128xf32, #tpu.memory_space<vmem_shared>>
          tpu.enqueue_dma source(%dma_start3A_118 : memref<16x128xf32, #tpu.memory_space<vmem_shared>>) target(%dma_start3A_115 : memref<16x128xf32, #tpu.memory_space<hbm>>) target_semaphore(%run_scoped3A : memref<!tpu.dma_semaphore, #tpu.memory_space<semaphore_mem>>)
          %dma_wait3A = arith.constant 9984 : i32
          %dma_wait3A_119 = arith.constant 0 : i32
          %dma_wait3A_120 = tpu.memref_slice %arg7[%dma_wait3A, %dma_wait3A_119] : memref<10000x128xf32, #tpu.memory_space<hbm>> -> memref<16x128xf32, #tpu.memory_space<hbm>>
          %dma_wait3A_121 = arith.constant 9984 : i32
          %dma_wait3A_122 = arith.constant 0 : i32
          %dma_wait3A_123 = tpu.memref_slice %arg14[%dma_wait3A_121, %dma_wait3A_122] : memref<10240x128xf32, #tpu.memory_space<vmem_shared>> -> memref<16x128xf32, #tpu.memory_space<vmem_shared>>
          tpu.wait_dma2 semaphore(%run_scoped3A : memref<!tpu.dma_semaphore, #tpu.memory_space<semaphore_mem>>) src(%dma_wait3A_123 : memref<16x128xf32, #tpu.memory_space<vmem_shared>>) dst(%dma_wait3A_120 : memref<16x128xf32, #tpu.memory_space<hbm>>)
          tpu.yield
        }) : () -> ()
      } else {
      }
    } else {
    }
    %eq3A_104 = arith.constant 1 : i32
    %eq3A_105 = arith.cmpi eq, %arg0, %eq3A_104 : i32
    %convert_element_type3A_106 = arith.extui %eq3A_105 : i1 to i32
    %cond3A_107 = arith.constant 0 : i32
    %cond3A_108 = arith.cmpi ne, %convert_element_type3A_106, %cond3A_107 : i32
    scf.if %cond3A_108 {
      "tpu.region"() ({
        %run_scoped3A = tpu.sem_alloc : memref<!tpu.dma_semaphore, #tpu.memory_space<semaphore_mem>>
        %dma_start3A = arith.constant 0 : i32
        %dma_start3A_114 = tpu.memref_slice %arg8[%mul3A_98, %dma_start3A] : memref<10000x128xf32, #tpu.memory_space<hbm>> -> memref<624x128xf32, #tpu.memory_space<hbm>>
        %dma_start3A_115 = arith.constant 0 : i32
        %dma_start3A_116 = tpu.memref_slice %arg14[%mul3A_98, %dma_start3A_115] : memref<10240x128xf32, #tpu.memory_space<vmem_shared>> -> memref<624x128xf32, #tpu.memory_space<vmem_shared>>
        tpu.enqueue_dma source(%dma_start3A_116 : memref<624x128xf32, #tpu.memory_space<vmem_shared>>) target(%dma_start3A_114 : memref<624x128xf32, #tpu.memory_space<hbm>>) target_semaphore(%run_scoped3A : memref<!tpu.dma_semaphore, #tpu.memory_space<semaphore_mem>>)
        %dma_wait3A = arith.constant 0 : i32
        %dma_wait3A_117 = tpu.memref_slice %arg8[%mul3A_98, %dma_wait3A] : memref<10000x128xf32, #tpu.memory_space<hbm>> -> memref<624x128xf32, #tpu.memory_space<hbm>>
        %dma_wait3A_118 = arith.constant 0 : i32
        %dma_wait3A_119 = tpu.memref_slice %arg14[%mul3A_98, %dma_wait3A_118] : memref<10240x128xf32, #tpu.memory_space<vmem_shared>> -> memref<624x128xf32, #tpu.memory_space<vmem_shared>>
        tpu.wait_dma2 semaphore(%run_scoped3A : memref<!tpu.dma_semaphore, #tpu.memory_space<semaphore_mem>>) src(%dma_wait3A_119 : memref<624x128xf32, #tpu.memory_space<vmem_shared>>) dst(%dma_wait3A_117 : memref<624x128xf32, #tpu.memory_space<hbm>>)
        tpu.yield
      }) : () -> ()
      %eq3A_109 = arith.constant 15 : i32
      %eq3A_110 = arith.cmpi eq, %arg1, %eq3A_109 : i32
      %convert_element_type3A_111 = arith.extui %eq3A_110 : i1 to i32
      %cond3A_112 = arith.constant 0 : i32
      %cond3A_113 = arith.cmpi ne, %convert_element_type3A_111, %cond3A_112 : i32
      scf.if %cond3A_113 {
        "tpu.region"() ({
          %run_scoped3A = tpu.sem_alloc : memref<!tpu.dma_semaphore, #tpu.memory_space<semaphore_mem>>
          %dma_start3A = arith.constant 9984 : i32
          %dma_start3A_114 = arith.constant 0 : i32
          %dma_start3A_115 = tpu.memref_slice %arg8[%dma_start3A, %dma_start3A_114] : memref<10000x128xf32, #tpu.memory_space<hbm>> -> memref<16x128xf32, #tpu.memory_space<hbm>>
          %dma_start3A_116 = arith.constant 9984 : i32
          %dma_start3A_117 = arith.constant 0 : i32
          %dma_start3A_118 = tpu.memref_slice %arg14[%dma_start3A_116, %dma_start3A_117] : memref<10240x128xf32, #tpu.memory_space<vmem_shared>> -> memref<16x128xf32, #tpu.memory_space<vmem_shared>>
          tpu.enqueue_dma source(%dma_start3A_118 : memref<16x128xf32, #tpu.memory_space<vmem_shared>>) target(%dma_start3A_115 : memref<16x128xf32, #tpu.memory_space<hbm>>) target_semaphore(%run_scoped3A : memref<!tpu.dma_semaphore, #tpu.memory_space<semaphore_mem>>)
          %dma_wait3A = arith.constant 9984 : i32
          %dma_wait3A_119 = arith.constant 0 : i32
          %dma_wait3A_120 = tpu.memref_slice %arg8[%dma_wait3A, %dma_wait3A_119] : memref<10000x128xf32, #tpu.memory_space<hbm>> -> memref<16x128xf32, #tpu.memory_space<hbm>>
          %dma_wait3A_121 = arith.constant 9984 : i32
          %dma_wait3A_122 = arith.constant 0 : i32
          %dma_wait3A_123 = tpu.memref_slice %arg14[%dma_wait3A_121, %dma_wait3A_122] : memref<10240x128xf32, #tpu.memory_space<vmem_shared>> -> memref<16x128xf32, #tpu.memory_space<vmem_shared>>
          tpu.wait_dma2 semaphore(%run_scoped3A : memref<!tpu.dma_semaphore, #tpu.memory_space<semaphore_mem>>) src(%dma_wait3A_123 : memref<16x128xf32, #tpu.memory_space<vmem_shared>>) dst(%dma_wait3A_120 : memref<16x128xf32, #tpu.memory_space<hbm>>)
          tpu.yield
        }) : () -> ()
      } else {
      }
    } else {
    }
    return
  }
}

module attributes {stable_mosaic.version = 14 : i64} {
  func.func @_mlp_body(%arg0: i32, %arg1: memref<2000x128xf32, #tpu.memory_space<vmem>>, %arg2: memref<2000x128xf32, #tpu.memory_space<vmem>>, %arg3: memref<2000x128xf32, #tpu.memory_space<vmem>>, %arg4: memref<384x16xf32, #tpu.memory_space<vmem>>, %arg5: memref<1x16xf32, #tpu.memory_space<vmem>>, %arg6: memref<16x128xf32, #tpu.memory_space<vmem>>, %arg7: memref<1x128xf32, #tpu.memory_space<vmem>>, %arg8: memref<2000x128xf32, #tpu.memory_space<vmem>>) attributes {dimension_semantics = [#tpu.dimension_semantics<arbitrary>], iteration_bounds = array<i64: 5>, scalar_prefetch = 0 : i64, scratch_operands = 0 : i64, tpu.core_type = #tpu.core_type<tc>, window_params = [{transform_indices = @transform_0, window_bounds = array<i64: 2000, 128>}, {transform_indices = @transform_1, window_bounds = array<i64: 2000, 128>}, {transform_indices = @transform_2, window_bounds = array<i64: 2000, 128>}, {pipeline_mode = #tpu.pipeline_mode<synchronous>, transform_indices = @transform_3, window_bounds = array<i64: 384, 16>}, {pipeline_mode = #tpu.pipeline_mode<synchronous>, transform_indices = @transform_4, window_bounds = array<i64: 1, 16>}, {pipeline_mode = #tpu.pipeline_mode<synchronous>, transform_indices = @transform_5, window_bounds = array<i64: 16, 128>}, {pipeline_mode = #tpu.pipeline_mode<synchronous>, transform_indices = @transform_6, window_bounds = array<i64: 1, 128>}, {transform_indices = @transform_7, window_bounds = array<i64: 2000, 128>}]} {
    %get3A = arith.constant 0 : index
    %get3A_0 = arith.constant 0 : index
    %get3A_1 = vector.load %arg1[%get3A, %get3A_0] : memref<2000x128xf32, #tpu.memory_space<vmem>>, vector<2000x128xf32>
    %get3A_2 = arith.constant 0 : index
    %get3A_3 = arith.constant 0 : index
    %get3A_4 = vector.load %arg2[%get3A_2, %get3A_3] : memref<2000x128xf32, #tpu.memory_space<vmem>>, vector<2000x128xf32>
    %get3A_5 = arith.constant 0 : index
    %get3A_6 = arith.constant 0 : index
    %get3A_7 = vector.load %arg3[%get3A_5, %get3A_6] : memref<2000x128xf32, #tpu.memory_space<vmem>>, vector<2000x128xf32>
    %concatenate3A = tpu.concatenate %get3A_1, %get3A_4, %get3A_7 in 1 : vector<2000x128xf32>, vector<2000x128xf32>, vector<2000x128xf32> -> vector<2000x384xf32>
    %get3A_8 = arith.constant 0 : index
    %get3A_9 = arith.constant 0 : index
    %get3A_10 = vector.load %arg4[%get3A_8, %get3A_9] : memref<384x16xf32, #tpu.memory_space<vmem>>, vector<384x16xf32>
    %dot_general3A = arith.constant dense<0.000000e+00> : vector<2000x16xf32>
    %dot_general3A_11 = tpu.matmul %concatenate3A, %get3A_10, %dot_general3A {dimension_numbers = #tpu.dot_dimension_numbers<[1], [0], [0], [1], [0, 0, 1, 1], [], []>, transpose_lhs_hint = false} : vector<2000x384xf32>, vector<384x16xf32>, vector<2000x16xf32> -> vector<2000x16xf32>
    %get3A_12 = arith.constant 0 : index
    %get3A_13 = arith.constant 0 : index
    %get3A_14 = vector.load %arg5[%get3A_12, %get3A_13] : memref<1x16xf32, #tpu.memory_space<vmem>>, vector<1x16xf32>
    %add3A = vector.broadcast %get3A_14 : vector<1x16xf32> to vector<2000x16xf32>
    %add3A_15 = arith.addf %dot_general3A_11, %add3A : vector<2000x16xf32>
    %tanh3A = math.tanh %add3A_15 : vector<2000x16xf32>
    %get3A_16 = arith.constant 0 : index
    %get3A_17 = arith.constant 0 : index
    %get3A_18 = vector.load %arg6[%get3A_16, %get3A_17] : memref<16x128xf32, #tpu.memory_space<vmem>>, vector<16x128xf32>
    %dot_general3A_19 = arith.constant dense<0.000000e+00> : vector<2000x128xf32>
    %dot_general3A_20 = tpu.matmul %tanh3A, %get3A_18, %dot_general3A_19 {dimension_numbers = #tpu.dot_dimension_numbers<[1], [0], [0], [1], [0, 0, 1, 1], [], []>, transpose_lhs_hint = false} : vector<2000x16xf32>, vector<16x128xf32>, vector<2000x128xf32> -> vector<2000x128xf32>
    %get3A_21 = arith.constant 0 : index
    %get3A_22 = arith.constant 0 : index
    %get3A_23 = vector.load %arg7[%get3A_21, %get3A_22] : memref<1x128xf32, #tpu.memory_space<vmem>>, vector<1x128xf32>
    %add3A_24 = vector.broadcast %get3A_23 : vector<1x128xf32> to vector<2000x128xf32>
    %add3A_25 = arith.addf %dot_general3A_20, %add3A_24 : vector<2000x128xf32>
    %reduce_max3A = arith.constant dense<0xFF800000> : vector<2000xf32>
    %reduce_max3A_26 = vector.multi_reduction <maximumf>, %add3A_25, %reduce_max3A [1] : vector<2000x128xf32> to vector<2000xf32>
    %broadcast_in_dim3A = vector.shape_cast %reduce_max3A_26 : vector<2000xf32> to vector<2000x1xf32>
    %sub3A = vector.broadcast %broadcast_in_dim3A : vector<2000x1xf32> to vector<2000x128xf32>
    %sub3A_27 = arith.subf %add3A_25, %sub3A : vector<2000x128xf32>
    %exp3A = math.exp %sub3A_27 : vector<2000x128xf32>
    %reduce_sum3A = arith.constant dense<0.000000e+00> : vector<2000xf32>
    %reduce_sum3A_28 = vector.multi_reduction <add>, %exp3A, %reduce_sum3A [1] : vector<2000x128xf32> to vector<2000xf32>
    %broadcast_in_dim3A_29 = vector.shape_cast %reduce_sum3A_28 : vector<2000xf32> to vector<2000x1xf32>
    %div3A = vector.broadcast %broadcast_in_dim3A_29 : vector<2000x1xf32> to vector<2000x128xf32>
    %div3A_30 = arith.divf %exp3A, %div3A : vector<2000x128xf32>
    %swap3A = arith.constant 0 : index
    %swap3A_31 = arith.constant 0 : index
    %swap3A_32 = vector.load %arg8[%swap3A, %swap3A_31] : memref<2000x128xf32, #tpu.memory_space<vmem>>, vector<2000x128xf32>
    tpu.vector_store %arg8[%swap3A, %swap3A_31], %div3A_30 {strides = array<i32>} : memref<2000x128xf32, #tpu.memory_space<vmem>>, vector<2000x128xf32>,
    return
  }
  func.func @transform_0(%arg0: i32) -> (i32, i32) {
    %c0_i32 = arith.constant 0 : i32
    %c0_i32_0 = arith.constant 0 : i32
    return %arg0, %c0_i32 : i32, i32
  }
  func.func @transform_1(%arg0: i32) -> (i32, i32) {
    %c0_i32 = arith.constant 0 : i32
    %c0_i32_0 = arith.constant 0 : i32
    return %arg0, %c0_i32 : i32, i32
  }
  func.func @transform_2(%arg0: i32) -> (i32, i32) {
    %c0_i32 = arith.constant 0 : i32
    %c0_i32_0 = arith.constant 0 : i32
    return %arg0, %c0_i32 : i32, i32
  }
  func.func @transform_3(%arg0: i32) -> (i32, i32) {
    %c0_i32 = arith.constant 0 : i32
    %c0_i32_0 = arith.constant 0 : i32
    %c0_i32_1 = arith.constant 0 : i32
    return %c0_i32, %c0_i32_0 : i32, i32
  }
  func.func @transform_4(%arg0: i32) -> (i32, i32) {
    %c0_i32 = arith.constant 0 : i32
    %c0_i32_0 = arith.constant 0 : i32
    %c0_i32_1 = arith.constant 0 : i32
    return %c0_i32, %c0_i32_0 : i32, i32
  }
  func.func @transform_5(%arg0: i32) -> (i32, i32) {
    %c0_i32 = arith.constant 0 : i32
    %c0_i32_0 = arith.constant 0 : i32
    %c0_i32_1 = arith.constant 0 : i32
    return %c0_i32, %c0_i32_0 : i32, i32
  }
  func.func @transform_6(%arg0: i32) -> (i32, i32) {
    %c0_i32 = arith.constant 0 : i32
    %c0_i32_0 = arith.constant 0 : i32
    %c0_i32_1 = arith.constant 0 : i32
    return %c0_i32, %c0_i32_0 : i32, i32
  }
  func.func @transform_7(%arg0: i32) -> (i32, i32) {
    %c0_i32 = arith.constant 0 : i32
    %c0_i32_0 = arith.constant 0 : i32
    return %arg0, %c0_i32 : i32, i32
  }
}

</mosaic_0001>

<sc_bundles>
// kernel: kernel.4.cloned.1.call-start
scs
__scs_entry_jumppad:
0x0: {  	(pc) =	sbr.rel $0x88, $3  }
0x1: {  	(tag) =	ssettag $0x0;
	lr =	simm.s32 $0x1  }
0x2: {  	[smem:$0x3F9A] =	sst lr;
	_ =	strace $0xD0000000  }
0x3: {  	_ = 	snop  }
0x4: {  	_ = 	snop  }
0x5: {  	_ = 	snop  }
0x6: {  	_ = 	snop  }
0x7: {  	_ = 	snop  }
__scs_overlays_trampoline_lowered:
0x8: {  	[smem:$0x3FA9] =	sst s0  }
0x9: {  	[smem:$0x3FAA] =	sst s1  }
0xa: {  	[smem:$0x3FAB] =	sst s2  }
0xb: {  	[smem:$0x3FAC] =	sst s3  }
0xc: {  	[smem:$0x3FAD] =	sst s4  }
0xd: {  	[smem:$0x3FAE] =	sst s5  }
0xe: {  	[smem:$0x3FAF] =	sst s6  }
0xf: {  	[smem:$0x3FB0] =	sst s7  }
0x10: {  	[smem:$0x3FB1] =	sst s8  }
0x11: {  	[smem:$0x3FB2] =	sst s9;
	s0 =	simm.s32 @!p0 $0x0  }
0x12: {  	s1 =	sld [smem:$0x3F98];
	s0 =	simm.s32 @p0 $0x1  }
0x13: {  	[smem:$0x3FB3] =	sst s0;
	s0 =	simm.s32 @!p1 $0x0  }
0x14: {  	s2 =	sld [smem:$0x3F97];
	s0 =	simm.s32 @p1 $0x1  }
0x15: {  	[smem:$0x3FB4] =	sst s0;
	s0 =	simm.s32 @!p2 $0x0  }
0x16: {  	s3 =	sld [smem:$0x3FDB];
	s0 =	simm.s32 @p2 $0x1  }
0x17: {  	s4 =	simm.s32 $0x1BF5;
	[smem:$0x3FB6] =	sst s0  }
0x18: {  	s0 =	sld [smem:$0x3F99];
	_ =	swait.ge [sflag:s4], $0x0  }
0x19: {  	s7 =	sld [smem:$0x3F9A]  }
0x1a: {  	s8 =	sadd.s32 $0xFFFFE003, lr  }
0x1b: {  	s9 =	sadd.s32 $0xFFFFFEF7, lr;
	s5 =	simm.s32 $0xFFFFFFFF;
	p2 =	slt.u32 s8, $0xFFFFF086  }
0x1c: {  	p1 =	slt.u32 s9, $0xF7A;
	s5 =	simm.s32 @!p2 $0x0  }
0x1d: {  	s5 =	simm.s32 @p1 $0x1;
	p0 =	seq.s32 s7, s2  }
0x1e: {  	s7 =	smul.u32 @!p0 $0xF7A, s2;
	p2 =	seq.s32 @!p0 s5, $0x0  }
0x1f: {  	s9 =	smul.u32 $0xF7A, s1;
	s8 =	simm.s32 @!p0 $0x1BF5;
	p2 =	por !p2, p0  }
0x20: {  	[sflag:s8] =	ssyncset.s32 @!p0 $0xFFFFF086;
	s6 =	sadd.s32 @!p0 s3, s7;
	s7 =	simm.s32 @!p0 $0x108  }
0x21: {  	s3 =	sadd.s32 s3, s9;
	s6 =	sadd.s32 @!p0 $0x88, s6;
	s7 =	simm.s32 @p2 $0x1082  }
0x22: {  	[simem:s7], [sflag:s8] =	dma.local @!p0 [hbm:s6], $0xF7A  }
0x23: {  	s9 =	sor.u32 $0xD0000000, s2;
	s6 =	simm.s32 $0x108;
	_ =	swait.ge @!p0 [sflag:s8], $0x0  }
0x24: {  	s3 =	sadd.s32 $0x88, s3;
	s6 =	simm.s32 @!p1 $0x1082;
	[sflag:s4] =	ssyncset.s32 $0xFFFFF086  }
0x25: {  	[simem:s6], [sflag:s4] =	dma.local [hbm:s3], $0xF7A  }
0x26: {  	[smem:$0x3F9A] =	sst s1;
	(tag) =	ssettag s2;
	_ =	strace s9  }
0x27: {  	s1 =	sld [smem:$0x3FAA]  }
0x28: {  	s2 =	sld [smem:$0x3FAB]  }
0x29: {  	s4 =	sld [smem:$0x3FAD]  }
0x2a: {  	p0 =	seq.s32 s5, $0x0;
	s5 =	sld [smem:$0x3FAE]  }
0x2b: {  	s6 =	sld [smem:$0x3FAF]  }
0x2c: {  	s7 =	sld [smem:$0x3FB0]  }
0x2d: {  	s3 =	simm.s32 $0x108;
	s8 =	sld [smem:$0x3FB1]  }
0x2e: {  	s3 =	simm.s32 @!p0 $0x1082;
	s9 =	sld [smem:$0x3FB2]  }
0x2f: {  	lr =	sadd.s32 s0, s3;
	s0 =	sld [smem:$0x3FA9]  }
0x30: {  	s3 =	sld [smem:$0x3FAC]  }
0x31: {  	[smem:$0x3FB5] =	sst s10  }
0x32: {  	s10 =	sld [smem:$0x3FB3];
	_ =	sdelay $0x3  }
0x33: {  	p0 =	seq.s32 s10, $0x1;
	s10 =	sld [smem:$0x3FB5];
	_ =	sdelay $0x3  }
0x34: {  	[smem:$0x3FB5] =	sst s10  }
0x35: {  	s10 =	sld [smem:$0x3FB4];
	_ =	sdelay $0x3  }
0x36: {  	p1 =	seq.s32 s10, $0x1;
	s10 =	sld [smem:$0x3FB5];
	_ =	sdelay $0x3  }
0x37: {  	[smem:$0x3FB5] =	sst s10  }
0x38: {  	s10 =	sld [smem:$0x3FB6]  }
0x39: {  	_ = 	snop;
	(pc) =	sbr.ind lr, $3  }
0x3a: {  	_ = 	snop  }
0x3b: {  	_ = 	snop  }
0x3c: {  	p2 =	seq.s32 s10, $0x1;
	s10 =	sld [smem:$0x3FB5]  }
0x3d: {  	_ =	shalt  }
0x3e: {  	_ =	shalt  }
0x3f: {  	_ =	shalt  }
0x40: {  	_ =	shalt  }
0x41: {  	_ =	shalt  }
0x42: {  	_ =	shalt  }
0x43: {  	_ =	shalt  }
0x44: {  	_ =	shalt  }
0x45: {  	_ =	shalt  }
0x46: {  	_ =	shalt  }
0x47: {  	_ =	shalt  }
0x48: {  	_ =	shalt  }
0x49: {  	_ =	shalt  }
0x4a: {  	_ =	shalt  }
0x4b: {  	_ =	shalt  }
0x4c: {  	_ =	shalt  }
0x4d: {  	_ =	shalt  }
0x4e: {  	_ =	shalt  }
0x4f: {  	_ =	shalt  }
0x50: {  	_ =	shalt  }
0x51: {  	_ =	shalt  }
0x52: {  	_ =	shalt  }
0x53: {  	_ =	shalt  }
0x54: {  	_ =	shalt  }
0x55: {  	_ =	shalt  }
0x56: {  	_ =	shalt  }
0x57: {  	_ =	shalt  }
0x58: {  	_ =	shalt  }
0x59: {  	_ =	shalt  }
0x5a: {  	_ =	shalt  }
0x5b: {  	_ =	shalt  }
0x5c: {  	_ =	shalt  }
0x5d: {  	_ =	shalt  }
0x5e: {  	_ =	shalt  }
0x5f: {  	_ =	shalt  }
0x60: {  	_ =	shalt  }
0x61: {  	_ =	shalt  }
0x62: {  	_ =	shalt  }
0x63: {  	_ =	shalt  }
0x64: {  	_ =	shalt  }
0x65: {  	_ =	shalt  }
0x66: {  	_ =	shalt  }
0x67: {  	_ =	shalt  }
0x68: {  	_ =	shalt  }
0x69: {  	_ =	shalt  }
0x6a: {  	_ =	shalt  }
0x6b: {  	_ =	shalt  }
0x6c: {  	_ =	shalt  }
0x6d: {  	_ =	shalt  }
0x6e: {  	_ =	shalt  }
0x6f: {  	_ =	shalt  }
0x70: {  	_ =	shalt  }
0x71: {  	_ =	shalt  }
0x72: {  	_ =	shalt  }
0x73: {  	_ =	shalt  }
0x74: {  	_ =	shalt  }
0x75: {  	_ =	shalt  }
0x76: {  	_ =	shalt  }
0x77: {  	_ =	shalt  }
0x78: {  	_ =	shalt  }
0x79: {  	_ =	shalt  }
0x7a: {  	_ =	shalt  }
0x7b: {  	_ =	shalt  }
0x7c: {  	_ =	shalt  }
0x7d: {  	_ =	shalt  }
0x7e: {  	_ =	shalt  }
0x7f: {  	_ =	shalt  }
0x80: {  	_ =	shalt  }
0x81: {  	_ =	shalt  }
0x82: {  	_ =	shalt  }
0x83: {  	_ =	shalt  }
0x84: {  	_ =	shalt  }
0x85: {  	_ =	shalt  }
0x86: {  	_ =	shalt  }
0x87: {  	_ =	shalt  }
.Lfunc_end0:
.L_simem_size_0:
called_computation_lowered:
.L_overlay_start_0:
0x88: {  	s2 =	sld [smem:$0x3FD9]  }
0x89: {  	s3 =	sld [smem:$0x3FFE];
	_ =	sdelay $0x1  }
0x8a: {  	s1 =	srdreg.scid  }
0x8b: {  	s0 =	sand.u32 $0x1, s1  }
0x8c: {  	s17 =	sshll.u32 s0, $0xA;
	s2 =	sadd.s32 s3, s2  }
0x8d: {  	s2 =	sadd.s32 s2, s17  }
0x8e: {  	[smem:$0x3FC1] =	sst s2  }
0x8f: {  	_ = 	snop  }
0x90: {  	s2 =	sld [smem:$0x3FC9]  }
0x91: {  	s18 =	sld [smem:$0x3FD0];
	(tm) =	ssettm $0x1  }
0x92: {  	s4 =	sld [smem:$0x3FFB];
	_ =	sdelay $0x3  }
0x93: {  	_ =	strace s4  }
0x94: {  	s4 =	sld [smem:$0x3FFC];
	_ =	sdelay $0x3  }
0x95: {  	_ =	strace s4  }
0x96: {  	s4 =	sld [smem:$0x3FFD];
	_ =	sdelay $0x3  }
0x97: {  	_ =	strace s4  }
0x98: {  	_ =	strace $0x8FFFFFFF  }
0x99: {  	s19 =	sld [smem:$0x3FDB];
	_ =	sdelay $0x1  }
0x9a: {  	s5 =	simm.s32 $_scs_section_size  }
0x9b: {  	s6 =	simm.s32 $_size__tile_overlayer_lowered;
	s7 =	simm.s32 $_tile_overlayer_lowered  }
0x9c: {  	s22 =	simm.s32 $0x1BFF;
	s21 =	sshll.u32 s7, $0x1;
	s4 =	sadd.s32 s5, s19  }
0x9d: {  	s8 =	simm.s32 $0x0;
	s20 =	sshll.u32 s6, $0x1;
	s6 =	sadd.s32 s21, s4  }
0x9e: {  	[timem:s8], [sflag:s22] =	dma.local [hbm:s6], s20  }
0x9f: {  	_ =	swait.ge [sflag:s22], s20  }
0xa0: {  	s5 =	ssub.s32 $0x0, s20;
	[sflag:s22] =	ssyncset.done $0x0  }
0xa1: {  	[sflag:s22] =	ssyncadd.s32 s5;
	_ =	sdelay $0x1  }
0xa2: {  	s23 =	simm.s32 $0x1B8B  }
0xa3: {  	_ =	swait.ge [sflag:s23], $0x1  }
0xa4: {  	[sflag:s23] =	ssyncset.done $0x0  }
0xa5: {  	s25 =	simm.s32 $0x1B8E;
	s24 =	sld [smem:$0x3FFE];
	[sflag:s23] =	ssyncadd.s32 $0xFFFFFFFF  }
0xa6: {  	s26 =	simm.s32 $execute0_lowered;
	[smem:$0x3FD2] =	sst s25  }
0xa7: {  	s6 =	sshll.u32 s26, $0x1;
	_ =	strace $0x80000046;
	[dreg:$0x1] =	wrdreg $0xFFFFFFFF  }
0xa8: {  	s28 =	simm.s32 $_size_execute0_lowered;
	s4 =	sadd.s32 s4, s6;
	[dreg:$0x0] =	wrdreg $0x0  }
0xa9: {  	s6 =	sshll.u32 s28, $0x1;
	[dreg:$0x2] =	wrdreg s4  }
0xaa: {  	[dreg:$0x3] =	wrdreg s6  }
0xab: {  	[dreg:$0x4] =	wrdreg $0xC0  }
0xac: {  	_ =	task [dreg:s8], $0x5FFFF  }
0xad: {  	[dreg:$0x1] =	wrdreg $0xFFFFFFFF  }
0xae: {  	[dreg:$0x0] =	wrdreg $0x60  }
0xaf: {  	[dreg:$0x2] =	wrdreg s2  }
0xb0: {  	[dreg:$0x3] =	wrdreg s24  }
0xb1: {  	[dreg:$0x4] =	wrdreg s18  }
0xb2: {  	[dreg:$0x5] =	wrdreg $0xAC400  }
0xb3: {  	[dreg:$0x6] =	wrdreg $0x9  }
0xb4: {  	_ =	task.clear_ibuf [dreg:s8], $0x7FFFF;
	_ =	strace $0x90000046  }
0xb5: {  	s29 =	simm.s32 $0x9;
	_ =	strace $0x80000048  }
0xb6: {  	_ =	swait.ge [sflag:s29], $0x1  }
0xb7: {  	[sflag:s29] =	ssyncadd.s32 $0xFFFFFFFF  }
0xb8: {  	_ =	strace $0x90000048  }
0xb9: {  	_ =	sfence  }
0xba: {  	s30 =	sld [smem:$0x0];
	_ =	sdelay $0x2  }
0xbb: {  	s31 =	sshll.u32 s1, $0xD;
	s1 =	sshrl.u32 s1, $0x2  }
0xbc: {  	s3 =	sand.u32 $0x4000, s31;
	s1 =	sadd.s32 s1, s30  }
0xbd: {  	s0 =	sor.u32 s3, s0;
	s1 =	sshll.u32 s1, $0x11  }
0xbe: {  	s0 =	sor.u32 s1, s0  }
0xbf: {  	s0 =	sadd.s32 $0x8F2B, s0  }
0xc0: {  	[sflag:s0] =	ssyncadd.remote.s32 $0x1  }
0xc1: {  	_ =	sfence.sel $0xFFFF  }
0xc2: {  	[dreg:$0x0] =	wrdreg $0xFFFFFFFF;
	(pc) =	sbr.abs _section_cstart, $3  }
0xc3: {  	[dreg:$0x1] =	wrdreg $0xFFFFFFFF  }
0xc4: {  	_ =	task.clear_ibuf [dreg:s8], $0x2FFFF;
	_ =	strace $0x9FFFFFFF  }
0xc5: {  	(tm) =	ssettm $0x7FFFFFFF  }
tec
execute0_lowered:
.L_overlay_start_1:
0x0: {  	(tag) =	ssettag $0x1  }
0x1: {  	s1 =	rddreg [dreg:$0x0]  }
0x2: {  	s0 =	rddreg [dreg:$0x1]  }
0x3: {  	s12 =	rddreg [dreg:$0x2]  }
0x4: {  	s3 =	rddreg [dreg:$0x3];
	s5 =	simm.s32 $0x0;
	s2 =	srdreg.scid  }
0x5: {  	s21 =	stileid.u32;
	[smem:$0x7FF] =	sst s5;
	s4 =	sadd.s32 $0x1E600, s0  }
0x6: {  	s2 =	sand.u32 $0x1, s2;
	s6 =	smul.u32 $0x50000, s21;
	s8 =	sadd.s32 $0x14800, s0  }
0x7: {  	s9 =	sadd.s32 $0xAA00, s0;
	s10 =	sadd.s32 $0xC00, s0;
	s22 =	sadd.s32 $0x28400, s0  }
0x8: {  	s26 =	smul.u32 $0x13800, s21;
	p1 =	seq.s32 s21, $0xF;
	p2 =	sne.s32 s21, $0xF  }
0x9: {  	_ =	strace $0x80000047;
	s7 =	ssub.s32 $0x2, s2;
	p0 =	seq.s32 s2, $0x0  }
0xa: {  	[dreg:$0x5] =	wrdreg s22;
	s11 =	sshrl.u32 s7, $0x1;
	s6 =	sshrl.u32 s6, $0x2  }
0xb: {  	s9 =	smov.u32 @p0 s4;
	s10 =	smov.u32 @p0 s8;
	p0 =	sne.s32 s2, $0x0  }
0xc: {  	s8 =	simm.s32 $0x2;
	s0 =	ssub.s32 s7, s11;
	s7 =	sadd.s32 s6, s3  }
0xd: {  	s6 =	smul.u32 $0x9C4, s21;
	s21 =	simm.s32 $0x3;
	s19 =	sadd.s32 $0x1000, s7  }
0xe: {  	s20 =	sadd.s32 $0x2000, s7;
	s23 =	sadd.s32 $0x3000, s7;
	s24 =	sadd.s32 $0x4000, s7  }
0xf: {  	s25 =	sadd.s32 $0x5000, s7;
	s13 =	sadd.s32 $0x6000, s7;
	s14 =	sadd.s32 $0x7000, s7  }
0x10: {  	s15 =	sadd.s32 $0x8000, s7;
	s16 =	sadd.s32 $0x9000, s7;
	[dreg:$0x6] =	wrdreg s19  }
0x11: {  	s17 =	sadd.s32 $0xA000, s7;
	s18 =	sadd.s32 $0xB000, s7;
	[dreg:$0x7] =	wrdreg s20  }
0x12: {  	s28 =	sadd.s32 $0xD000, s7;
	s29 =	sadd.s32 $0xE000, s7;
	[dreg:$0x8] =	wrdreg s23  }
0x13: {  	s30 =	sadd.s32 $0xF000, s7;
	s31 =	sadd.s32 $0x10000, s7;
	[dreg:$0x9] =	wrdreg s24  }
0x14: {  	s2 =	sadd.s32 $0x12000, s7;
	[dreg:$0xa] =	wrdreg s25;
	s23 =	sshrl.u32 s26, $0x3  }
0x15: {  	s19 =	sadd.s32 s9, s6;
	s20 =	sadd.s32 s10, s6;
	s25 =	sadd.s32 $0x138000, s3  }
.Ltmp0:
0x16: {  	s6 =	sadd.s32 $0x13000, s7;
	s24 =	sadd.s32 s22, s23;
	(pc) =	sbr.rel .LBB2_1-.Ltmp0, $4  }
0x17: {  	s22 =	sadd.s32 s26, s3;
	s4 =	sadd.s32 s12, s23;
	[dreg:$0xb] =	wrdreg s24  }
0x18: {  	s26 =	sshrl.u32 s25, $0x3;
	s23 =	simm.s32 $0x9C40;
	[dreg:$0xc] =	wrdreg s4  }
0x19: {  	s25 =	simm.s32 $0x20;
	s24 =	smax.u32 s0, $0x1;
	[dreg:$0xd] =	wrdreg s26  }
0x1a: {  	v0 =	vimm.f32 $0.0e+00;
	s26 =	sadd.s32 $0xC000, s7;
	s0 =	sadd.s32 $0x11000, s7;
	s4 =	simm.s32 $0x1  }
.LBB2_8:
0x1b: {  	s10 =	sadd.s32 $0x27000, s10;
	s11 =	rddreg [dreg:$0xd]  }
0x1c: {  	[hbm:s10], [sflag:s9] =	dma.local [spmem:s11], $0x100  }
0x1d: {  	_ =	swait.ge [sflag:s21], $0x100  }
0x1e: {  	[sflag:s21] =	ssyncset.done $0x0  }
0x1f: {  	[sflag:s21] =	ssyncadd.s32 $0xFFFFFF00  }
.LBB2_9:
0x20: {  	s5 =	sadd.s32 $0x1, s5  }
0x21: {  	p3 =	sne.s32 s5, s24  }
.Ltmp1:
0x22: {  	_ = 	snop;
	(pc) =	sbr.rel @!p3 .LBB2_10-.Ltmp1, $1  }
0x23: {  	_ =	sdelay $0x3  }
.LBB2_1:
0x24: {  	s9 =	simm.s32 $0x0;
	s10 =	simm.s32 $0x200  }
.LBB2_2:
0x25: {  	p3 =	sne.s32 s10, $0x3E00;
	[tilespmem:s9+$0x9CB0] =	vst v0  }
0x26: {  	[tilespmem:s9+$0x9C40] =	vst v0  }
0x27: {  	[tilespmem:s9+$0x9C50] =	vst v0  }
.Ltmp2:
0x28: {  	[tilespmem:s9+$0x9C60] =	vst v0;
	(pc) =	sbr.rel @p3 .LBB2_2-.Ltmp2, $4  }
0x29: {  	[tilespmem:s9+$0x9C70] =	vst v0  }
0x2a: {  	[tilespmem:s9+$0x9C80] =	vst v0  }
0x2b: {  	[tilespmem:s9+$0x9C90] =	vst v0  }
0x2c: {  	[tilespmem:s9+$0x9CA0] =	vst v0;
	s9 =	sshra.s32 s10, $0x2;
	s10 =	sadd.s32 $0x200, s10  }
0x2d: {  	[tilespmem:s9+$0x9CB0] =	vst v0  }
0x2e: {  	[tilespmem:s9+$0x9C40] =	vst v0  }
0x2f: {  	[tilespmem:s9+$0x9C50] =	vst v0  }
0x30: {  	[tilespmem:s9+$0x9C60] =	vst v0  }
0x31: {  	[tilespmem:s9+$0x9C70] =	vst v0  }
0x32: {  	[tilespmem:s9+$0x9C80] =	vst v0  }
0x33: {  	[tilespmem:s9+$0x9C90] =	vst v0  }
0x34: {  	[tilespmem:s9+$0x9CA0] =	vst v0;
	s11 =	simm.s32 $0x0  }
0x35: {  	[tilespmem:s11], [sflag:$0x3] =	stream.linear.gather [hbm4b:s19+s11], $0x4E20, $0x38;
	[tilespmem:$0x1EC40] =	vst v63  }
0x36: {  	_ =	swait.ge [sflag:s21], $0x4E20  }
0x37: {  	[sflag:s21] =	ssyncset.done $0x0  }
0x38: {  	s10 =	simm.s32 $0x4E20;
	[sflag:s21] =	ssyncadd.s32 $0xFFFFB1E0  }
0x39: {  	[tilespmem:s10], [sflag:$0x3] =	stream.linear.gather [hbm4b:s20+s11], $0x4E20, $0x38;
	[tilespmem:$0x1EC40] =	vst v63  }
0x3a: {  	_ =	swait.ge [sflag:s21], $0x4E20  }
0x3b: {  	[sflag:s21] =	ssyncset.done $0x0  }
0x3c: {  	[sflag:s21] =	ssyncadd.s32 $0xFFFFB1E0  }
0x3d: {  	[spmem:s7] =	stream.linear.scatter [tilespmem:s23], [sflag:$0x3], $0x1000, $0x38;
	[tilespmem:$0x1EC40] =	vst v63  }
0x3e: {  	_ =	swait.ge [sflag:s21], $0x1000  }
0x3f: {  	[sflag:s21] =	ssyncset.done $0x0  }
0x40: {  	s12 =	rddreg [dreg:$0x6];
	[sflag:s21] =	ssyncadd.s32 $0xFFFFF000  }
0x41: {  	[spmem:s12] =	stream.linear.scatter [tilespmem:s23], [sflag:$0x3], $0x1000, $0x38;
	[tilespmem:$0x1EC40] =	vst v63  }
0x42: {  	_ =	swait.ge [sflag:s21], $0x1000  }
0x43: {  	[sflag:s21] =	ssyncset.done $0x0  }
0x44: {  	s10 =	rddreg [dreg:$0x7];
	[sflag:s21] =	ssyncadd.s32 $0xFFFFF000  }
0x45: {  	[spmem:s10] =	stream.linear.scatter [tilespmem:s23], [sflag:$0x3], $0x1000, $0x38;
	[tilespmem:$0x1EC40] =	vst v63  }
0x46: {  	_ =	swait.ge [sflag:s21], $0x1000  }
0x47: {  	[sflag:s21] =	ssyncset.done $0x0  }
0x48: {  	s11 =	rddreg [dreg:$0x8];
	[sflag:s21] =	ssyncadd.s32 $0xFFFFF000  }
0x49: {  	[spmem:s11] =	stream.linear.scatter [tilespmem:s23], [sflag:$0x3], $0x1000, $0x38;
	[tilespmem:$0x1EC40] =	vst v63  }
0x4a: {  	_ =	swait.ge [sflag:s21], $0x1000  }
0x4b: {  	[sflag:s21] =	ssyncset.done $0x0  }
0x4c: {  	s12 =	rddreg [dreg:$0x9];
	[sflag:s21] =	ssyncadd.s32 $0xFFFFF000  }
0x4d: {  	[spmem:s12] =	stream.linear.scatter [tilespmem:s23], [sflag:$0x3], $0x1000, $0x38;
	[tilespmem:$0x1EC40] =	vst v63  }
0x4e: {  	_ =	swait.ge [sflag:s21], $0x1000  }
0x4f: {  	[sflag:s21] =	ssyncset.done $0x0  }
0x50: {  	s10 =	rddreg [dreg:$0xa];
	[sflag:s21] =	ssyncadd.s32 $0xFFFFF000  }
0x51: {  	[spmem:s10] =	stream.linear.scatter [tilespmem:s23], [sflag:$0x3], $0x1000, $0x38;
	[tilespmem:$0x1EC40] =	vst v63  }
0x52: {  	_ =	swait.ge [sflag:s21], $0x1000  }
0x53: {  	[sflag:s21] =	ssyncset.done $0x0  }
0x54: {  	[sflag:s21] =	ssyncadd.s32 $0xFFFFF000  }
0x55: {  	[spmem:s13] =	stream.linear.scatter [tilespmem:s23], [sflag:$0x3], $0x1000, $0x38;
	[tilespmem:$0x1EC40] =	vst v63  }
0x56: {  	_ =	swait.ge [sflag:s21], $0x1000  }
0x57: {  	[sflag:s21] =	ssyncset.done $0x0  }
0x58: {  	[sflag:s21] =	ssyncadd.s32 $0xFFFFF000  }
0x59: {  	[spmem:s14] =	stream.linear.scatter [tilespmem:s23], [sflag:$0x3], $0x1000, $0x38;
	[tilespmem:$0x1EC40] =	vst v63  }
0x5a: {  	_ =	swait.ge [sflag:s21], $0x1000  }
0x5b: {  	[sflag:s21] =	ssyncset.done $0x0  }
0x5c: {  	[sflag:s21] =	ssyncadd.s32 $0xFFFFF000  }
0x5d: {  	[spmem:s15] =	stream.linear.scatter [tilespmem:s23], [sflag:$0x3], $0x1000, $0x38;
	[tilespmem:$0x1EC40] =	vst v63  }
0x5e: {  	_ =	swait.ge [sflag:s21], $0x1000  }
0x5f: {  	[sflag:s21] =	ssyncset.done $0x0  }
0x60: {  	[sflag:s21] =	ssyncadd.s32 $0xFFFFF000  }
0x61: {  	[spmem:s16] =	stream.linear.scatter [tilespmem:s23], [sflag:$0x3], $0x1000, $0x38;
	[tilespmem:$0x1EC40] =	vst v63  }
0x62: {  	_ =	swait.ge [sflag:s21], $0x1000  }
0x63: {  	[sflag:s21] =	ssyncset.done $0x0  }
0x64: {  	[sflag:s21] =	ssyncadd.s32 $0xFFFFF000  }
0x65: {  	[spmem:s17] =	stream.linear.scatter [tilespmem:s23], [sflag:$0x3], $0x1000, $0x38;
	[tilespmem:$0x1EC40] =	vst v63  }
0x66: {  	_ =	swait.ge [sflag:s21], $0x1000  }
0x67: {  	[sflag:s21] =	ssyncset.done $0x0  }
0x68: {  	[sflag:s21] =	ssyncadd.s32 $0xFFFFF000  }
0x69: {  	[spmem:s18] =	stream.linear.scatter [tilespmem:s23], [sflag:$0x3], $0x1000, $0x38;
	[tilespmem:$0x1EC40] =	vst v63  }
0x6a: {  	_ =	swait.ge [sflag:s21], $0x1000  }
0x6b: {  	[sflag:s21] =	ssyncset.done $0x0  }
0x6c: {  	[sflag:s21] =	ssyncadd.s32 $0xFFFFF000  }
0x6d: {  	[spmem:s26] =	stream.linear.scatter [tilespmem:s23], [sflag:$0x3], $0x1000, $0x38;
	[tilespmem:$0x1EC40] =	vst v63  }
0x6e: {  	_ =	swait.ge [sflag:s21], $0x1000  }
0x6f: {  	[sflag:s21] =	ssyncset.done $0x0  }
0x70: {  	[sflag:s21] =	ssyncadd.s32 $0xFFFFF000  }
0x71: {  	[spmem:s28] =	stream.linear.scatter [tilespmem:s23], [sflag:$0x3], $0x1000, $0x38;
	[tilespmem:$0x1EC40] =	vst v63  }
0x72: {  	_ =	swait.ge [sflag:s21], $0x1000  }
0x73: {  	[sflag:s21] =	ssyncset.done $0x0  }
0x74: {  	[sflag:s21] =	ssyncadd.s32 $0xFFFFF000  }
0x75: {  	[spmem:s29] =	stream.linear.scatter [tilespmem:s23], [sflag:$0x3], $0x1000, $0x38;
	[tilespmem:$0x1EC40] =	vst v63  }
0x76: {  	_ =	swait.ge [sflag:s21], $0x1000  }
0x77: {  	[sflag:s21] =	ssyncset.done $0x0  }
0x78: {  	[sflag:s21] =	ssyncadd.s32 $0xFFFFF000  }
0x79: {  	[spmem:s30] =	stream.linear.scatter [tilespmem:s23], [sflag:$0x3], $0x1000, $0x38;
	[tilespmem:$0x1EC40] =	vst v63  }
0x7a: {  	_ =	swait.ge [sflag:s21], $0x1000  }
0x7b: {  	[sflag:s21] =	ssyncset.done $0x0  }
0x7c: {  	[sflag:s21] =	ssyncadd.s32 $0xFFFFF000  }
0x7d: {  	[spmem:s31] =	stream.linear.scatter [tilespmem:s23], [sflag:$0x3], $0x1000, $0x38;
	[tilespmem:$0x1EC40] =	vst v63  }
0x7e: {  	_ =	swait.ge [sflag:s21], $0x1000  }
0x7f: {  	[sflag:s21] =	ssyncset.done $0x0  }
0x80: {  	[sflag:s21] =	ssyncadd.s32 $0xFFFFF000  }
0x81: {  	[spmem:s0] =	stream.linear.scatter [tilespmem:s23], [sflag:$0x3], $0x1000, $0x38;
	[tilespmem:$0x1EC40] =	vst v63  }
0x82: {  	_ =	swait.ge [sflag:s21], $0x1000  }
0x83: {  	[sflag:s21] =	ssyncset.done $0x0  }
0x84: {  	[sflag:s21] =	ssyncadd.s32 $0xFFFFF000  }
0x85: {  	[spmem:s2] =	stream.linear.scatter [tilespmem:s23], [sflag:$0x3], $0x1000, $0x38;
	[tilespmem:$0x1EC40] =	vst v63  }
0x86: {  	_ =	swait.ge [sflag:s21], $0x1000  }
0x87: {  	[sflag:s21] =	ssyncset.done $0x0  }
0x88: {  	[sflag:s21] =	ssyncadd.s32 $0xFFFFF000  }
0x89: {  	[spmem:s6] =	stream.linear.scatter [tilespmem:s23], [sflag:$0x3], $0x1000, $0x38;
	[tilespmem:$0x1EC40] =	vst v63  }
0x8a: {  	_ =	swait.ge [sflag:s21], $0x1000  }
0x8b: {  	[sflag:s21] =	ssyncset.done $0x0  }
0x8c: {  	[sflag:s21] =	ssyncadd.s32 $0xFFFFF000  }
0x8d: {  	s11 =	simm.s32 $0x0;
	[bflag:$0x0] =	sbarrier.arrive $0xFFFF  }
0x8e: {  	[tilespmem:s23], [sflag:$0x1] =	stream.indirect.gather [hbm4b:s1+s25], $0x80, s11, s25, $0xb8;
	[tilespmem:$0x1EC40] =	vst v63  }
0x8f: {  	_ =	swait.ge [sflag:s4], $0x1000  }
0x90: {  	[sflag:s4] =	ssyncset.done $0x0  }
0x91: {  	s12 =	simm.s32 $0x4E20;
	[sflag:s4] =	ssyncadd.s32 $0xFFFFF000  }
0x92: {  	[spmem:s3] =	stream.indirect.scatter.add.f32 [tilespmem:s23], [sflag:$0x2], $0x80, s12, s25, $0xb8;
	[tilespmem:$0x1EC40] =	vst v63  }
0x93: {  	_ =	swait.ge [sflag:s8], $0x1000  }
0x94: {  	s9 =	simm.s32 $0x80;
	s10 =	simm.s32 $0x100;
	[sflag:s8] =	ssyncset.done $0x0  }
.LBB2_4:
0x95: {  	s11 =	sshra.s32 s9, $0x2  }
0x96: {  	[sflag:s8] =	ssyncadd.s32 $0xFFFFF000;
	s9 =	smov.u32 s10;
	s12 =	sadd.s32 $0x80, s10  }
0x97: {  	[tilespmem:s23], [sflag:$0x1] =	stream.indirect.gather [hbm4b:s1+s25], $0x80, s11, s25, $0xb8;
	[tilespmem:$0x1EC40] =	vst v63  }
0x98: {  	p3 =	sne.s32 s10, $0x13800;
	_ =	swait.ge [sflag:s4], $0x1000  }
.Ltmp3:
0x99: {  	[sflag:s4] =	ssyncset.done $0x0;
	(pc) =	sbr.rel @p3 .LBB2_4-.Ltmp3, $4  }
0x9a: {  	s10 =	sadd.s32 $0x4E20, s11;
	[sflag:s4] =	ssyncadd.s32 $0xFFFFF000  }
0x9b: {  	[spmem:s3] =	stream.indirect.scatter.add.f32 [tilespmem:s23], [sflag:$0x2], $0x80, s10, s25, $0xb8;
	[tilespmem:$0x1EC40] =	vst v63  }
0x9c: {  	_ =	swait.ge [sflag:s8], $0x1000  }
0x9d: {  	s10 =	smov.u32 s12;
	[sflag:s8] =	ssyncset.done $0x0  }
0x9e: {  	s9 =	sshra.s32 s9, $0x2;
	[sflag:s8] =	ssyncadd.s32 $0xFFFFF000  }
0x9f: {  	[tilespmem:s23], [sflag:$0x1] =	stream.indirect.gather [hbm4b:s1+s25], $0x80, s9, s25, $0xb8;
	[tilespmem:$0x1EC40] =	vst v63  }
0xa0: {  	_ =	swait.ge [sflag:s4], $0x1000  }
0xa1: {  	[sflag:s4] =	ssyncset.done $0x0  }
0xa2: {  	s9 =	sadd.s32 $0x4E20, s9;
	[sflag:s4] =	ssyncadd.s32 $0xFFFFF000  }
0xa3: {  	[spmem:s3] =	stream.indirect.scatter.add.f32 [tilespmem:s23], [sflag:$0x2], $0x80, s9, s25, $0xb8;
	[tilespmem:$0x1EC40] =	vst v63  }
.Ltmp4:
0xa4: {  	_ =	swait.ge [sflag:s8], $0x1000;
	(pc) =	sbr.rel @p0 .LBB2_7-.Ltmp4, $4  }
0xa5: {  	[sflag:s8] =	ssyncset.done $0x0  }
0xa6: {  	s12 =	stileid.u32;
	[sflag:s8] =	ssyncadd.s32 $0xFFFFF000  }
0xa7: {  	s11 =	sshll.u32 s12, $0x6;
	[bflag:$0x0] =	sbarrier.arrive $0xFFFF  }
0xa8: {  	s10 =	sshrl.u32 s22, $0x3;
	s9 =	sor.u32 $0x1C03, s11  }
0xa9: {  	s9 =	sor.u32 $0x1C03, s11;
	s12 =	rddreg [dreg:$0xc]  }
0xaa: {  	[hbm:s12], [sflag:s9] =	dma.local [spmem:s10], $0x2700  }
.Ltmp5:
0xab: {  	_ = 	snop;
	(pc) =	sbr.rel @p1 .LBB2_8-.Ltmp5, $4  }
.Ltmp6:
0xac: {  	_ =	swait.ge [sflag:s21], $0x2700;
	(pc) =	sbr.rel @!p1 .LBB2_9-.Ltmp6, $4  }
0xad: {  	[sflag:s21] =	ssyncset.done $0x0  }
0xae: {  	[sflag:s21] =	ssyncadd.s32 $0xFFFFD900  }
0xaf: {  	s10 =	rddreg [dreg:$0x2]  }
0xb0: {  	_ = 	snop  }
.LBB2_7:
0xb1: {  	s11 =	rddreg [dreg:$0xb]  }
0xb2: {  	[hbm:s11], [sflag:s9] =	dma.local [spmem:s10], $0x2700  }
.Ltmp7:
0xb3: {  	_ = 	snop;
	(pc) =	sbr.rel @p2 .LBB2_9-.Ltmp7, $4  }
.Ltmp8:
0xb4: {  	_ = 	snop;
	(pc) =	sbr.rel @!p2 .LBB2_8-.Ltmp8, $4  }
0xb5: {  	_ =	swait.ge [sflag:s21], $0x2700  }
0xb6: {  	[sflag:s21] =	ssyncset.done $0x0  }
0xb7: {  	s10 =	rddreg [dreg:$0x5];
	[sflag:s21] =	ssyncadd.s32 $0xFFFFD900  }
0xb8: {  	_ = 	snop  }
.LBB2_10:
0xb9: {  	_ =	sfence.sel $0x180000  }
0xba: {  	[bflag:$0x0] =	sbarrier.arrive $0xFFFF  }
0xbb: {  	_ =	strace $0x90000047  }
0xbc: {  	s0 =	stileid.u32;
	[bflag:$0x2] =	sbarrier.arrive $0xFFFF  }
0xbd: {  	p0 =	sne.s32 s0, $0x0;
	s0 =	rddreg [dreg:$0x4]  }
0xbe: {  	s0 =	sadd.s32 @!p0 $0x100000, s0  }
0xbf: {  	[sflag:s0] =	ssyncadd.tile.s32 @!p0 $0x1;
	_ =	shalt  }
.Lfunc_end2:
_tile_overlayer_lowered:
.L_overlay_start_2:
0xc0: {  	(tag) =	ssettag $0x2  }
0xc1: {  	s0 =	rddreg [dreg:$0x0];
	s2 =	stileid.u32  }
0xc2: {  	s1 =	rddreg [dreg:$0x1];
	p0 =	sne.s32 s2, $0x0  }
0xc3: {  	s3 =	rddreg [dreg:$0x2];
	[bflag:$0x3] =	sbarrier.arrive $0xFFFF;
	s2 =	simm.s32 @!p0 $0x1C03  }
0xc4: {  	[timem:s3], [sflag:s2] =	dma.local @!p0 [hbm:s0], s1  }
0xc5: {  	s0 =	simm.s32 @!p0 $0x3  }
0xc6: {  	_ =	swait.ge @!p0 [sflag:s0], s1  }
0xc7: {  	s1 =	ssub.s32 @!p0 $0x0, s1;
	[sflag:s0] =	ssyncset.done @!p0 $0x0  }
0xc8: {  	[sflag:s0] =	ssyncadd.s32 @!p0 s1  }
0xc9: {  	[bflag:$0x3] =	sbarrier.arrive $0xFFFF  }
0xca: {  	_ =	shalt  }

</sc_bundles>
